<compile_context>
chip_gen: v7x
topology: tpu7x:2x2x1
jax: 0.10.2.dev20260603
libtpu: 0.0.44.dev20260713+nightly
codegen_flags: <defaults>
</compile_context>

<pallas_src>
import functools

import jax
import jax.numpy as jnp
from jax import lax
from jax.experimental import pallas as pl
from jax.experimental.pallas import tpu as pltpu
from jax.experimental.pallas import tpu_sc as plsc



def _lookup_body(cam_hbm, idd_hbm, dt_hbm,
                 wcam1_hbm, bcam1_hbm, wident1_hbm, bident1_hbm,
                 wcam2_hbm, bcam2_hbm, wident2_hbm, bident2_hbm,
                 w_out_hbm, b_out_hbm,
                 cam_v, idd_v, dt_v, g_v, w_v, b_v, sem):
    wid = lax.axis_index("s") * 2 + lax.axis_index("c")

    @pl.when(wid == 0)
    def _():
        pltpu.sync_copy(cam_hbm, cam_v)
        pltpu.sync_copy(idd_hbm, idd_v)
        pltpu.sync_copy(dt_hbm, dt_v)
        cam = cam_v[...]
        idd = idd_v[...]
        tables = (wcam1_hbm, bcam1_hbm, wident1_hbm, bident1_hbm,
                  wcam2_hbm, bcam2_hbm, wident2_hbm, bident2_hbm)
        copies = []
        for t, tab in enumerate(tables):
            idx = (cam if t in (0, 1, 4, 5) else idd) * 3
            for c in range(3):
                copies.append(
                    pltpu.async_copy(tab.at[idx + c], g_v.at[t * 3 + c], sem))
        for cp in copies:
            cp.wait()

        use1 = dt_v[...] == 0
        for c in range(3):
            w1 = g_v[0 + c, :] + g_v[6 + c, :]
            b1 = g_v[3 + c, :] + g_v[9 + c, :]
            w2 = g_v[12 + c, :] + g_v[18 + c, :]
            b2 = g_v[15 + c, :] + g_v[21 + c, :]
            w_v[c, :] = jnp.where(use1, w1, w2)
            b_v[c, :] = jnp.where(use1, b1, b2)
        pltpu.sync_copy(w_v, w_out_hbm)
        pltpu.sync_copy(b_v, b_out_hbm)


def _sc_lookup(camindex, idindex, dataset_type,
               wcam1, bcam1, wident1, bident1,
               wcam2, bcam2, wident2, bident2):
    mesh = plsc.VectorSubcoreMesh(core_axis_name="c", subcore_axis_name="s")
    run = pl.kernel(
        _lookup_body,
        out_type=(jax.ShapeDtypeStruct((3, 16), jnp.float32),
                  jax.ShapeDtypeStruct((3, 16), jnp.float32)),
        mesh=mesh,
        scratch_types=[
            pltpu.VMEM((16,), jnp.int32),
            pltpu.VMEM((16,), jnp.int32),
            pltpu.VMEM((16,), jnp.int32),
            pltpu.VMEM((24, 16), jnp.float32),
            pltpu.VMEM((3, 16), jnp.float32),
            pltpu.VMEM((3, 16), jnp.float32),
            pltpu.SemaphoreType.DMA,
        ],
    )
    return run(camindex, idindex, dataset_type,
               wcam1.reshape(-1), bcam1.reshape(-1),
               wident1.reshape(-1), bident1.reshape(-1),
               wcam2.reshape(-1), bcam2.reshape(-1),
               wident2.reshape(-1), bident2.reshape(-1))



def _affine_body(img_ref, w_ref, b_ref, o_ref):
    n = pl.program_id(0)
    for c in range(3):
        o_ref[0, c] = img_ref[0, c] * w_ref[c, n] + b_ref[c, n]


def _tc_affine(image, w2d, b2d):
    n, ch, h, wd = image.shape
    return pl.pallas_call(
        _affine_body,
        grid=(n,),
        in_specs=[
            pl.BlockSpec((1, ch, h, wd), lambda i: (i, 0, 0, 0)),
            pl.BlockSpec(memory_space=pltpu.SMEM),
            pl.BlockSpec(memory_space=pltpu.SMEM),
        ],
        out_specs=pl.BlockSpec((1, ch, h, wd), lambda i: (i, 0, 0, 0)),
        out_shape=jax.ShapeDtypeStruct(image.shape, image.dtype),
        compiler_params=pltpu.CompilerParams(
            dimension_semantics=("parallel",)),
    )(image, w2d, b2d)


@jax.jit
def kernel(image, camindex, idindex, dataset_type,
           wcam1, bcam1, wident1, bident1,
           wcam2, bcam2, wident2, bident2):
    w2d, b2d = _sc_lookup(camindex, idindex, dataset_type,
                          wcam1, bcam1, wident1, bident1,
                          wcam2, bcam2, wident2, bident2)
    return _tc_affine(image, w2d, b2d)

# --- scband reference (transcript-rebuilt; emitter-appended) ---
"""Pipeline reference for scband-colorcal-two-datasets-6536940224722 (READ-ONLY COPY).

The authoritative reference and input builder live on the scoring server;
editing this copy changes nothing except your own understanding.
"""

import jax, jax.numpy as jnp
import numpy as np


def setup_inputs(seed: int = 0) -> dict:
    key = jax.random.key(seed)
    ks = jax.random.split(key, 12)
    image = jax.random.normal(ks[0], (16, 3, 512, 512), dtype=jnp.float32)
    camindex = jax.random.randint(ks[1], (16,), 0, 50, dtype=jnp.int32)
    idindex = jax.random.randint(ks[2], (16,), 0, 5000, dtype=jnp.int32)
    dataset_type = jax.random.randint(ks[3], (16,), 0, 2, dtype=jnp.int32)
    # net1 params (ncams1=100, nident1=10000); torch init is ones/zeros, perturbed for nontrivial math
    wcam1 = 1.0 + 0.1 * jax.random.normal(ks[4], (100, 3), dtype=jnp.float32)
    bcam1 = 0.1 * jax.random.normal(ks[5], (100, 3), dtype=jnp.float32)
    wident1 = 0.1 * jax.random.normal(ks[6], (10000, 3), dtype=jnp.float32)
    bident1 = 0.1 * jax.random.normal(ks[7], (10000, 3), dtype=jnp.float32)
    # net2 params (ncams2=50, nident2=5000)
    wcam2 = 1.0 + 0.1 * jax.random.normal(ks[8], (50, 3), dtype=jnp.float32)
    bcam2 = 0.1 * jax.random.normal(ks[9], (50, 3), dtype=jnp.float32)
    wident2 = 0.1 * jax.random.normal(ks[10], (5000, 3), dtype=jnp.float32)
    bident2 = 0.1 * jax.random.normal(ks[11], (5000, 3), dtype=jnp.float32)
    return {
        "image": image,
        "camindex": camindex,
        "idindex": idindex,
        "dataset_type": dataset_type,
        "wcam1": wcam1, "bcam1": bcam1, "wident1": wident1, "bident1": bident1,
        "wcam2": wcam2, "bcam2": bcam2, "wident2": wident2, "bident2": bident2,
    }


def reference(image, camindex, idindex, dataset_type,
              wcam1, bcam1, wident1, bident1,
              wcam2, bcam2, wident2, bident2):
    # Per-sample: select params from net1 if dataset_type==0 else net2.
    # Vectorized equivalent of the python loop + torch.cat in the original.
    w1 = jnp.take(wcam1, camindex, axis=0) + jnp.take(wident1, idindex, axis=0)  # [B,3]
    b1 = jnp.take(bcam1, camindex, axis=0) + jnp.take(bident1, idindex, axis=0)  # [B,3]
    w2 = jnp.take(wcam2, camindex, axis=0) + jnp.take(wident2, idindex, axis=0)  # [B,3]
    b2 = jnp.take(bcam2, camindex, axis=0) + jnp.take(bident2, idindex, axis=0)  # [B,3]
    mask = (dataset_type == 0)[:, None]  # [B,1]
    w = jnp.where(mask, w1, w2)  # [B,3]
    b = jnp.where(mask, b1, b2)  # [B,3]
    return w[:, :, None, None] * image + b[:, :, None, None]

if __name__ == "__main__":
    import jax
    _d = setup_inputs()
    print(jax.jit(kernel)(*tuple(_d.values())))

</pallas_src>

<mosaic_0001>
#map = affine_map<(d0, d1) -> (0)>
#map1 = affine_map<(d0, d1) -> (0, 0)>
module attributes {stable_mosaic.version = 14 : i64} {
  func.func @_lookup_body(%arg0: i32, %arg1: i32, %arg2: memref<16xi32, #tpu.memory_space<hbm>>, %arg3: memref<16xi32, #tpu.memory_space<hbm>>, %arg4: memref<16xi32, #tpu.memory_space<hbm>>, %arg5: memref<300xf32, #tpu.memory_space<hbm>>, %arg6: memref<300xf32, #tpu.memory_space<hbm>>, %arg7: memref<30000xf32, #tpu.memory_space<hbm>>, %arg8: memref<30000xf32, #tpu.memory_space<hbm>>, %arg9: memref<150xf32, #tpu.memory_space<hbm>>, %arg10: memref<150xf32, #tpu.memory_space<hbm>>, %arg11: memref<15000xf32, #tpu.memory_space<hbm>>, %arg12: memref<15000xf32, #tpu.memory_space<hbm>>, %arg13: memref<3x16xf32, #tpu.memory_space<hbm>>, %arg14: memref<3x16xf32, #tpu.memory_space<hbm>>, %arg15: memref<16xi32, #tpu.memory_space<vmem>>, %arg16: memref<16xi32, #tpu.memory_space<vmem>>, %arg17: memref<16xi32, #tpu.memory_space<vmem>>, %arg18: memref<24x16xf32, #tpu.memory_space<vmem>>, %arg19: memref<3x16xf32, #tpu.memory_space<vmem>>, %arg20: memref<3x16xf32, #tpu.memory_space<vmem>>, %arg21: memref<!tpu.dma_semaphore, #tpu.memory_space<semaphore_mem>>) attributes {dimension_semantics = [#tpu.dimension_semantics<core_parallel>, #tpu.dimension_semantics<subcore_parallel>], iteration_bounds = array<i64: 2, 16>, scalar_prefetch = 0 : i64, scratch_operands = 7 : i64, tpu.core_type = #tpu.core_type<sc_vector_subcore>, window_params = [{transform_indices = #map}, {transform_indices = #map}, {transform_indices = #map}, {transform_indices = #map}, {transform_indices = #map}, {transform_indices = #map}, {transform_indices = #map}, {transform_indices = #map}, {transform_indices = #map}, {transform_indices = #map}, {transform_indices = #map}, {transform_indices = #map1}, {transform_indices = #map1}]} {
    %mul3A = arith.constant 2 : i32
    %mul3A_0 = arith.muli %arg1, %mul3A : i32
    %add3A = arith.addi %mul3A_0, %arg0 : i32
    %eq3A = arith.constant 0 : i32
    %eq3A_1 = arith.cmpi eq, %add3A, %eq3A : i32
    %convert_element_type3A = arith.extui %eq3A_1 : i1 to i32
    %cond3A = arith.constant 0 : i32
    %cond3A_2 = arith.cmpi ne, %convert_element_type3A, %cond3A : i32
    scf.if %cond3A_2 {
      "tpu.region"() ({
        %run_scoped3A = tpu.sem_alloc : memref<!tpu.dma_semaphore, #tpu.memory_space<semaphore_mem>>
        tpu.enqueue_dma source(%arg2 : memref<16xi32, #tpu.memory_space<hbm>>) target(%arg15 : memref<16xi32, #tpu.memory_space<vmem>>) target_semaphore(%run_scoped3A : memref<!tpu.dma_semaphore, #tpu.memory_space<semaphore_mem>>)
        tpu.wait_dma2 semaphore(%run_scoped3A : memref<!tpu.dma_semaphore, #tpu.memory_space<semaphore_mem>>) src(%arg2 : memref<16xi32, #tpu.memory_space<hbm>>) dst(%arg15 : memref<16xi32, #tpu.memory_space<vmem>>)
        tpu.yield
      }) : () -> ()
      "tpu.region"() ({
        %run_scoped3A = tpu.sem_alloc : memref<!tpu.dma_semaphore, #tpu.memory_space<semaphore_mem>>
        tpu.enqueue_dma source(%arg3 : memref<16xi32, #tpu.memory_space<hbm>>) target(%arg16 : memref<16xi32, #tpu.memory_space<vmem>>) target_semaphore(%run_scoped3A : memref<!tpu.dma_semaphore, #tpu.memory_space<semaphore_mem>>)
        tpu.wait_dma2 semaphore(%run_scoped3A : memref<!tpu.dma_semaphore, #tpu.memory_space<semaphore_mem>>) src(%arg3 : memref<16xi32, #tpu.memory_space<hbm>>) dst(%arg16 : memref<16xi32, #tpu.memory_space<vmem>>)
        tpu.yield
      }) : () -> ()
      "tpu.region"() ({
        %run_scoped3A = tpu.sem_alloc : memref<!tpu.dma_semaphore, #tpu.memory_space<semaphore_mem>>
        tpu.enqueue_dma source(%arg4 : memref<16xi32, #tpu.memory_space<hbm>>) target(%arg17 : memref<16xi32, #tpu.memory_space<vmem>>) target_semaphore(%run_scoped3A : memref<!tpu.dma_semaphore, #tpu.memory_space<semaphore_mem>>)
        tpu.wait_dma2 semaphore(%run_scoped3A : memref<!tpu.dma_semaphore, #tpu.memory_space<semaphore_mem>>) src(%arg4 : memref<16xi32, #tpu.memory_space<hbm>>) dst(%arg17 : memref<16xi32, #tpu.memory_space<vmem>>)
        tpu.yield
      }) : () -> ()
      %get3A = arith.constant 0 : index
      %get3A_3 = tpu.vector_load %arg15[%get3A] {strides = array<i32>} : memref<16xi32, #tpu.memory_space<vmem>>, vector<16xi32>,
      %get3A_4 = vector.shape_cast %get3A_3 : vector<16xi32> to vector<16xi32>
      %get3A_5 = arith.constant 0 : index
      %get3A_6 = tpu.vector_load %arg16[%get3A_5] {strides = array<i32>} : memref<16xi32, #tpu.memory_space<vmem>>, vector<16xi32>,
      %get3A_7 = vector.shape_cast %get3A_6 : vector<16xi32> to vector<16xi32>
      %mul3A_8 = arith.constant 3 : i32
      %mul3A_9 = vector.broadcast %mul3A_8 : i32 to vector<16xi32>
      %mul3A_10 = arith.muli %get3A_4, %mul3A_9 : vector<16xi32>
      %add3A_11 = arith.constant 0 : i32
      %add3A_12 = vector.broadcast %add3A_11 : i32 to vector<16xi32>
      %add3A_13 = arith.addi %mul3A_10, %add3A_12 : vector<16xi32>
      %dma_start3A = arith.constant 0 : i32
      %dma_start3A_14 = arith.constant 0 : i32
      %dma_start3A_15 = tpu.memref_slice %arg18[%dma_start3A, %dma_start3A_14] : memref<24x16xf32, #tpu.memory_space<vmem>> -> memref<1x16xf32, #tpu.memory_space<vmem>>
      %dma_start3A_16 = tpu.memref_squeeze %dma_start3A_15 : memref<1x16xf32, #tpu.memory_space<vmem>> -> memref<16xf32, #tpu.memory_space<vmem>>
      %dma_start3A_17 = arith.constant 0 : i32
      %dma_start3A_18 = tpu.memref_slice %arg5[%dma_start3A_17] : memref<300xf32, #tpu.memory_space<hbm>> -> memref<300xf32, #tpu.memory_space<hbm>>
      tpu.enqueue_indirect_dma source(%dma_start3A_18 : memref<300xf32, #tpu.memory_space<hbm>>) target(%dma_start3A_16 : memref<16xf32, #tpu.memory_space<vmem>>) offsets(%add3A_13 : vector<16xi32>) semaphore(%arg21 : memref<!tpu.dma_semaphore, #tpu.memory_space<semaphore_mem>>)
      %add3A_19 = arith.constant 1 : i32
      %add3A_20 = vector.broadcast %add3A_19 : i32 to vector<16xi32>
      %add3A_21 = arith.addi %mul3A_10, %add3A_20 : vector<16xi32>
      %dma_start3A_22 = arith.constant 1 : i32
      %dma_start3A_23 = arith.constant 0 : i32
      %dma_start3A_24 = tpu.memref_slice %arg18[%dma_start3A_22, %dma_start3A_23] : memref<24x16xf32, #tpu.memory_space<vmem>> -> memref<1x16xf32, #tpu.memory_space<vmem>>
      %dma_start3A_25 = tpu.memref_squeeze %dma_start3A_24 : memref<1x16xf32, #tpu.memory_space<vmem>> -> memref<16xf32, #tpu.memory_space<vmem>>
      %dma_start3A_26 = arith.constant 0 : i32
      %dma_start3A_27 = tpu.memref_slice %arg5[%dma_start3A_26] : memref<300xf32, #tpu.memory_space<hbm>> -> memref<300xf32, #tpu.memory_space<hbm>>
      tpu.enqueue_indirect_dma source(%dma_start3A_27 : memref<300xf32, #tpu.memory_space<hbm>>) target(%dma_start3A_25 : memref<16xf32, #tpu.memory_space<vmem>>) offsets(%add3A_21 : vector<16xi32>) semaphore(%arg21 : memref<!tpu.dma_semaphore, #tpu.memory_space<semaphore_mem>>)
      %add3A_28 = arith.constant 2 : i32
      %add3A_29 = vector.broadcast %add3A_28 : i32 to vector<16xi32>
      %add3A_30 = arith.addi %mul3A_10, %add3A_29 : vector<16xi32>
      %dma_start3A_31 = arith.constant 2 : i32
      %dma_start3A_32 = arith.constant 0 : i32
      %dma_start3A_33 = tpu.memref_slice %arg18[%dma_start3A_31, %dma_start3A_32] : memref<24x16xf32, #tpu.memory_space<vmem>> -> memref<1x16xf32, #tpu.memory_space<vmem>>
      %dma_start3A_34 = tpu.memref_squeeze %dma_start3A_33 : memref<1x16xf32, #tpu.memory_space<vmem>> -> memref<16xf32, #tpu.memory_space<vmem>>
      %dma_start3A_35 = arith.constant 0 : i32
      %dma_start3A_36 = tpu.memref_slice %arg5[%dma_start3A_35] : memref<300xf32, #tpu.memory_space<hbm>> -> memref<300xf32, #tpu.memory_space<hbm>>
      tpu.enqueue_indirect_dma source(%dma_start3A_36 : memref<300xf32, #tpu.memory_space<hbm>>) target(%dma_start3A_34 : memref<16xf32, #tpu.memory_space<vmem>>) offsets(%add3A_30 : vector<16xi32>) semaphore(%arg21 : memref<!tpu.dma_semaphore, #tpu.memory_space<semaphore_mem>>)
      %mul3A_37 = arith.constant 3 : i32
      %mul3A_38 = vector.broadcast %mul3A_37 : i32 to vector<16xi32>
      %mul3A_39 = arith.muli %get3A_4, %mul3A_38 : vector<16xi32>
      %add3A_40 = arith.constant 0 : i32
      %add3A_41 = vector.broadcast %add3A_40 : i32 to vector<16xi32>
      %add3A_42 = arith.addi %mul3A_39, %add3A_41 : vector<16xi32>
      %dma_start3A_43 = arith.constant 3 : i32
      %dma_start3A_44 = arith.constant 0 : i32
      %dma_start3A_45 = tpu.memref_slice %arg18[%dma_start3A_43, %dma_start3A_44] : memref<24x16xf32, #tpu.memory_space<vmem>> -> memref<1x16xf32, #tpu.memory_space<vmem>>
      %dma_start3A_46 = tpu.memref_squeeze %dma_start3A_45 : memref<1x16xf32, #tpu.memory_space<vmem>> -> memref<16xf32, #tpu.memory_space<vmem>>
      %dma_start3A_47 = arith.constant 0 : i32
      %dma_start3A_48 = tpu.memref_slice %arg6[%dma_start3A_47] : memref<300xf32, #tpu.memory_space<hbm>> -> memref<300xf32, #tpu.memory_space<hbm>>
      tpu.enqueue_indirect_dma source(%dma_start3A_48 : memref<300xf32, #tpu.memory_space<hbm>>) target(%dma_start3A_46 : memref<16xf32, #tpu.memory_space<vmem>>) offsets(%add3A_42 : vector<16xi32>) semaphore(%arg21 : memref<!tpu.dma_semaphore, #tpu.memory_space<semaphore_mem>>)
      %add3A_49 = arith.constant 1 : i32
      %add3A_50 = vector.broadcast %add3A_49 : i32 to vector<16xi32>
      %add3A_51 = arith.addi %mul3A_39, %add3A_50 : vector<16xi32>
      %dma_start3A_52 = arith.constant 4 : i32
      %dma_start3A_53 = arith.constant 0 : i32
      %dma_start3A_54 = tpu.memref_slice %arg18[%dma_start3A_52, %dma_start3A_53] : memref<24x16xf32, #tpu.memory_space<vmem>> -> memref<1x16xf32, #tpu.memory_space<vmem>>
      %dma_start3A_55 = tpu.memref_squeeze %dma_start3A_54 : memref<1x16xf32, #tpu.memory_space<vmem>> -> memref<16xf32, #tpu.memory_space<vmem>>
      %dma_start3A_56 = arith.constant 0 : i32
      %dma_start3A_57 = tpu.memref_slice %arg6[%dma_start3A_56] : memref<300xf32, #tpu.memory_space<hbm>> -> memref<300xf32, #tpu.memory_space<hbm>>
      tpu.enqueue_indirect_dma source(%dma_start3A_57 : memref<300xf32, #tpu.memory_space<hbm>>) target(%dma_start3A_55 : memref<16xf32, #tpu.memory_space<vmem>>) offsets(%add3A_51 : vector<16xi32>) semaphore(%arg21 : memref<!tpu.dma_semaphore, #tpu.memory_space<semaphore_mem>>)
      %add3A_58 = arith.constant 2 : i32
      %add3A_59 = vector.broadcast %add3A_58 : i32 to vector<16xi32>
      %add3A_60 = arith.addi %mul3A_39, %add3A_59 : vector<16xi32>
      %dma_start3A_61 = arith.constant 5 : i32
      %dma_start3A_62 = arith.constant 0 : i32
      %dma_start3A_63 = tpu.memref_slice %arg18[%dma_start3A_61, %dma_start3A_62] : memref<24x16xf32, #tpu.memory_space<vmem>> -> memref<1x16xf32, #tpu.memory_space<vmem>>
      %dma_start3A_64 = tpu.memref_squeeze %dma_start3A_63 : memref<1x16xf32, #tpu.memory_space<vmem>> -> memref<16xf32, #tpu.memory_space<vmem>>
      %dma_start3A_65 = arith.constant 0 : i32
      %dma_start3A_66 = tpu.memref_slice %arg6[%dma_start3A_65] : memref<300xf32, #tpu.memory_space<hbm>> -> memref<300xf32, #tpu.memory_space<hbm>>
      tpu.enqueue_indirect_dma source(%dma_start3A_66 : memref<300xf32, #tpu.memory_space<hbm>>) target(%dma_start3A_64 : memref<16xf32, #tpu.memory_space<vmem>>) offsets(%add3A_60 : vector<16xi32>) semaphore(%arg21 : memref<!tpu.dma_semaphore, #tpu.memory_space<semaphore_mem>>)
      %mul3A_67 = arith.constant 3 : i32
      %mul3A_68 = vector.broadcast %mul3A_67 : i32 to vector<16xi32>
      %mul3A_69 = arith.muli %get3A_7, %mul3A_68 : vector<16xi32>
      %add3A_70 = arith.constant 0 : i32
      %add3A_71 = vector.broadcast %add3A_70 : i32 to vector<16xi32>
      %add3A_72 = arith.addi %mul3A_69, %add3A_71 : vector<16xi32>
      %dma_start3A_73 = arith.constant 6 : i32
      %dma_start3A_74 = arith.constant 0 : i32
      %dma_start3A_75 = tpu.memref_slice %arg18[%dma_start3A_73, %dma_start3A_74] : memref<24x16xf32, #tpu.memory_space<vmem>> -> memref<1x16xf32, #tpu.memory_space<vmem>>
      %dma_start3A_76 = tpu.memref_squeeze %dma_start3A_75 : memref<1x16xf32, #tpu.memory_space<vmem>> -> memref<16xf32, #tpu.memory_space<vmem>>
      %dma_start3A_77 = arith.constant 0 : i32
      %dma_start3A_78 = tpu.memref_slice %arg7[%dma_start3A_77] : memref<30000xf32, #tpu.memory_space<hbm>> -> memref<30000xf32, #tpu.memory_space<hbm>>
      tpu.enqueue_indirect_dma source(%dma_start3A_78 : memref<30000xf32, #tpu.memory_space<hbm>>) target(%dma_start3A_76 : memref<16xf32, #tpu.memory_space<vmem>>) offsets(%add3A_72 : vector<16xi32>) semaphore(%arg21 : memref<!tpu.dma_semaphore, #tpu.memory_space<semaphore_mem>>)
      %add3A_79 = arith.constant 1 : i32
      %add3A_80 = vector.broadcast %add3A_79 : i32 to vector<16xi32>
      %add3A_81 = arith.addi %mul3A_69, %add3A_80 : vector<16xi32>
      %dma_start3A_82 = arith.constant 7 : i32
      %dma_start3A_83 = arith.constant 0 : i32
      %dma_start3A_84 = tpu.memref_slice %arg18[%dma_start3A_82, %dma_start3A_83] : memref<24x16xf32, #tpu.memory_space<vmem>> -> memref<1x16xf32, #tpu.memory_space<vmem>>
      %dma_start3A_85 = tpu.memref_squeeze %dma_start3A_84 : memref<1x16xf32, #tpu.memory_space<vmem>> -> memref<16xf32, #tpu.memory_space<vmem>>
      %dma_start3A_86 = arith.constant 0 : i32
      %dma_start3A_87 = tpu.memref_slice %arg7[%dma_start3A_86] : memref<30000xf32, #tpu.memory_space<hbm>> -> memref<30000xf32, #tpu.memory_space<hbm>>
      tpu.enqueue_indirect_dma source(%dma_start3A_87 : memref<30000xf32, #tpu.memory_space<hbm>>) target(%dma_start3A_85 : memref<16xf32, #tpu.memory_space<vmem>>) offsets(%add3A_81 : vector<16xi32>) semaphore(%arg21 : memref<!tpu.dma_semaphore, #tpu.memory_space<semaphore_mem>>)
      %add3A_88 = arith.constant 2 : i32
      %add3A_89 = vector.broadcast %add3A_88 : i32 to vector<16xi32>
      %add3A_90 = arith.addi %mul3A_69, %add3A_89 : vector<16xi32>
      %dma_start3A_91 = arith.constant 8 : i32
      %dma_start3A_92 = arith.constant 0 : i32
      %dma_start3A_93 = tpu.memref_slice %arg18[%dma_start3A_91, %dma_start3A_92] : memref<24x16xf32, #tpu.memory_space<vmem>> -> memref<1x16xf32, #tpu.memory_space<vmem>>
      %dma_start3A_94 = tpu.memref_squeeze %dma_start3A_93 : memref<1x16xf32, #tpu.memory_space<vmem>> -> memref<16xf32, #tpu.memory_space<vmem>>
      %dma_start3A_95 = arith.constant 0 : i32
      %dma_start3A_96 = tpu.memref_slice %arg7[%dma_start3A_95] : memref<30000xf32, #tpu.memory_space<hbm>> -> memref<30000xf32, #tpu.memory_space<hbm>>
      tpu.enqueue_indirect_dma source(%dma_start3A_96 : memref<30000xf32, #tpu.memory_space<hbm>>) target(%dma_start3A_94 : memref<16xf32, #tpu.memory_space<vmem>>) offsets(%add3A_90 : vector<16xi32>) semaphore(%arg21 : memref<!tpu.dma_semaphore, #tpu.memory_space<semaphore_mem>>)
      %mul3A_97 = arith.constant 3 : i32
      %mul3A_98 = vector.broadcast %mul3A_97 : i32 to vector<16xi32>
      %mul3A_99 = arith.muli %get3A_7, %mul3A_98 : vector<16xi32>
      %add3A_100 = arith.constant 0 : i32
      %add3A_101 = vector.broadcast %add3A_100 : i32 to vector<16xi32>
      %add3A_102 = arith.addi %mul3A_99, %add3A_101 : vector<16xi32>
      %dma_start3A_103 = arith.constant 9 : i32
      %dma_start3A_104 = arith.constant 0 : i32
      %dma_start3A_105 = tpu.memref_slice %arg18[%dma_start3A_103, %dma_start3A_104] : memref<24x16xf32, #tpu.memory_space<vmem>> -> memref<1x16xf32, #tpu.memory_space<vmem>>
      %dma_start3A_106 = tpu.memref_squeeze %dma_start3A_105 : memref<1x16xf32, #tpu.memory_space<vmem>> -> memref<16xf32, #tpu.memory_space<vmem>>
      %dma_start3A_107 = arith.constant 0 : i32
      %dma_start3A_108 = tpu.memref_slice %arg8[%dma_start3A_107] : memref<30000xf32, #tpu.memory_space<hbm>> -> memref<30000xf32, #tpu.memory_space<hbm>>
      tpu.enqueue_indirect_dma source(%dma_start3A_108 : memref<30000xf32, #tpu.memory_space<hbm>>) target(%dma_start3A_106 : memref<16xf32, #tpu.memory_space<vmem>>) offsets(%add3A_102 : vector<16xi32>) semaphore(%arg21 : memref<!tpu.dma_semaphore, #tpu.memory_space<semaphore_mem>>)
      %add3A_109 = arith.constant 1 : i32
      %add3A_110 = vector.broadcast %add3A_109 : i32 to vector<16xi32>
      %add3A_111 = arith.addi %mul3A_99, %add3A_110 : vector<16xi32>
      %dma_start3A_112 = arith.constant 10 : i32
      %dma_start3A_113 = arith.constant 0 : i32
      %dma_start3A_114 = tpu.memref_slice %arg18[%dma_start3A_112, %dma_start3A_113] : memref<24x16xf32, #tpu.memory_space<vmem>> -> memref<1x16xf32, #tpu.memory_space<vmem>>
      %dma_start3A_115 = tpu.memref_squeeze %dma_start3A_114 : memref<1x16xf32, #tpu.memory_space<vmem>> -> memref<16xf32, #tpu.memory_space<vmem>>
      %dma_start3A_116 = arith.constant 0 : i32
      %dma_start3A_117 = tpu.memref_slice %arg8[%dma_start3A_116] : memref<30000xf32, #tpu.memory_space<hbm>> -> memref<30000xf32, #tpu.memory_space<hbm>>
      tpu.enqueue_indirect_dma source(%dma_start3A_117 : memref<30000xf32, #tpu.memory_space<hbm>>) target(%dma_start3A_115 : memref<16xf32, #tpu.memory_space<vmem>>) offsets(%add3A_111 : vector<16xi32>) semaphore(%arg21 : memref<!tpu.dma_semaphore, #tpu.memory_space<semaphore_mem>>)
      %add3A_118 = arith.constant 2 : i32
      %add3A_119 = vector.broadcast %add3A_118 : i32 to vector<16xi32>
      %add3A_120 = arith.addi %mul3A_99, %add3A_119 : vector<16xi32>
      %dma_start3A_121 = arith.constant 11 : i32
      %dma_start3A_122 = arith.constant 0 : i32
      %dma_start3A_123 = tpu.memref_slice %arg18[%dma_start3A_121, %dma_start3A_122] : memref<24x16xf32, #tpu.memory_space<vmem>> -> memref<1x16xf32, #tpu.memory_space<vmem>>
      %dma_start3A_124 = tpu.memref_squeeze %dma_start3A_123 : memref<1x16xf32, #tpu.memory_space<vmem>> -> memref<16xf32, #tpu.memory_space<vmem>>
      %dma_start3A_125 = arith.constant 0 : i32
      %dma_start3A_126 = tpu.memref_slice %arg8[%dma_start3A_125] : memref<30000xf32, #tpu.memory_space<hbm>> -> memref<30000xf32, #tpu.memory_space<hbm>>
      tpu.enqueue_indirect_dma source(%dma_start3A_126 : memref<30000xf32, #tpu.memory_space<hbm>>) target(%dma_start3A_124 : memref<16xf32, #tpu.memory_space<vmem>>) offsets(%add3A_120 : vector<16xi32>) semaphore(%arg21 : memref<!tpu.dma_semaphore, #tpu.memory_space<semaphore_mem>>)
      %mul3A_127 = arith.constant 3 : i32
      %mul3A_128 = vector.broadcast %mul3A_127 : i32 to vector<16xi32>
      %mul3A_129 = arith.muli %get3A_4, %mul3A_128 : vector<16xi32>
      %add3A_130 = arith.constant 0 : i32
      %add3A_131 = vector.broadcast %add3A_130 : i32 to vector<16xi32>
      %add3A_132 = arith.addi %mul3A_129, %add3A_131 : vector<16xi32>
      %dma_start3A_133 = arith.constant 12 : i32
      %dma_start3A_134 = arith.constant 0 : i32
      %dma_start3A_135 = tpu.memref_slice %arg18[%dma_start3A_133, %dma_start3A_134] : memref<24x16xf32, #tpu.memory_space<vmem>> -> memref<1x16xf32, #tpu.memory_space<vmem>>
      %dma_start3A_136 = tpu.memref_squeeze %dma_start3A_135 : memref<1x16xf32, #tpu.memory_space<vmem>> -> memref<16xf32, #tpu.memory_space<vmem>>
      %dma_start3A_137 = arith.constant 0 : i32
      %dma_start3A_138 = tpu.memref_slice %arg9[%dma_start3A_137] : memref<150xf32, #tpu.memory_space<hbm>> -> memref<150xf32, #tpu.memory_space<hbm>>
      tpu.enqueue_indirect_dma source(%dma_start3A_138 : memref<150xf32, #tpu.memory_space<hbm>>) target(%dma_start3A_136 : memref<16xf32, #tpu.memory_space<vmem>>) offsets(%add3A_132 : vector<16xi32>) semaphore(%arg21 : memref<!tpu.dma_semaphore, #tpu.memory_space<semaphore_mem>>)
      %add3A_139 = arith.constant 1 : i32
      %add3A_140 = vector.broadcast %add3A_139 : i32 to vector<16xi32>
      %add3A_141 = arith.addi %mul3A_129, %add3A_140 : vector<16xi32>
      %dma_start3A_142 = arith.constant 13 : i32
      %dma_start3A_143 = arith.constant 0 : i32
      %dma_start3A_144 = tpu.memref_slice %arg18[%dma_start3A_142, %dma_start3A_143] : memref<24x16xf32, #tpu.memory_space<vmem>> -> memref<1x16xf32, #tpu.memory_space<vmem>>
      %dma_start3A_145 = tpu.memref_squeeze %dma_start3A_144 : memref<1x16xf32, #tpu.memory_space<vmem>> -> memref<16xf32, #tpu.memory_space<vmem>>
      %dma_start3A_146 = arith.constant 0 : i32
      %dma_start3A_147 = tpu.memref_slice %arg9[%dma_start3A_146] : memref<150xf32, #tpu.memory_space<hbm>> -> memref<150xf32, #tpu.memory_space<hbm>>
      tpu.enqueue_indirect_dma source(%dma_start3A_147 : memref<150xf32, #tpu.memory_space<hbm>>) target(%dma_start3A_145 : memref<16xf32, #tpu.memory_space<vmem>>) offsets(%add3A_141 : vector<16xi32>) semaphore(%arg21 : memref<!tpu.dma_semaphore, #tpu.memory_space<semaphore_mem>>)
      %add3A_148 = arith.constant 2 : i32
      %add3A_149 = vector.broadcast %add3A_148 : i32 to vector<16xi32>
      %add3A_150 = arith.addi %mul3A_129, %add3A_149 : vector<16xi32>
      %dma_start3A_151 = arith.constant 14 : i32
      %dma_start3A_152 = arith.constant 0 : i32
      %dma_start3A_153 = tpu.memref_slice %arg18[%dma_start3A_151, %dma_start3A_152] : memref<24x16xf32, #tpu.memory_space<vmem>> -> memref<1x16xf32, #tpu.memory_space<vmem>>
      %dma_start3A_154 = tpu.memref_squeeze %dma_start3A_153 : memref<1x16xf32, #tpu.memory_space<vmem>> -> memref<16xf32, #tpu.memory_space<vmem>>
      %dma_start3A_155 = arith.constant 0 : i32
      %dma_start3A_156 = tpu.memref_slice %arg9[%dma_start3A_155] : memref<150xf32, #tpu.memory_space<hbm>> -> memref<150xf32, #tpu.memory_space<hbm>>
      tpu.enqueue_indirect_dma source(%dma_start3A_156 : memref<150xf32, #tpu.memory_space<hbm>>) target(%dma_start3A_154 : memref<16xf32, #tpu.memory_space<vmem>>) offsets(%add3A_150 : vector<16xi32>) semaphore(%arg21 : memref<!tpu.dma_semaphore, #tpu.memory_space<semaphore_mem>>)
      %mul3A_157 = arith.constant 3 : i32
      %mul3A_158 = vector.broadcast %mul3A_157 : i32 to vector<16xi32>
      %mul3A_159 = arith.muli %get3A_4, %mul3A_158 : vector<16xi32>
      %add3A_160 = arith.constant 0 : i32
      %add3A_161 = vector.broadcast %add3A_160 : i32 to vector<16xi32>
      %add3A_162 = arith.addi %mul3A_159, %add3A_161 : vector<16xi32>
      %dma_start3A_163 = arith.constant 15 : i32
      %dma_start3A_164 = arith.constant 0 : i32
      %dma_start3A_165 = tpu.memref_slice %arg18[%dma_start3A_163, %dma_start3A_164] : memref<24x16xf32, #tpu.memory_space<vmem>> -> memref<1x16xf32, #tpu.memory_space<vmem>>
      %dma_start3A_166 = tpu.memref_squeeze %dma_start3A_165 : memref<1x16xf32, #tpu.memory_space<vmem>> -> memref<16xf32, #tpu.memory_space<vmem>>
      %dma_start3A_167 = arith.constant 0 : i32
      %dma_start3A_168 = tpu.memref_slice %arg10[%dma_start3A_167] : memref<150xf32, #tpu.memory_space<hbm>> -> memref<150xf32, #tpu.memory_space<hbm>>
      tpu.enqueue_indirect_dma source(%dma_start3A_168 : memref<150xf32, #tpu.memory_space<hbm>>) target(%dma_start3A_166 : memref<16xf32, #tpu.memory_space<vmem>>) offsets(%add3A_162 : vector<16xi32>) semaphore(%arg21 : memref<!tpu.dma_semaphore, #tpu.memory_space<semaphore_mem>>)
      %add3A_169 = arith.constant 1 : i32
      %add3A_170 = vector.broadcast %add3A_169 : i32 to vector<16xi32>
      %add3A_171 = arith.addi %mul3A_159, %add3A_170 : vector<16xi32>
      %dma_start3A_172 = arith.constant 16 : i32
      %dma_start3A_173 = arith.constant 0 : i32
      %dma_start3A_174 = tpu.memref_slice %arg18[%dma_start3A_172, %dma_start3A_173] : memref<24x16xf32, #tpu.memory_space<vmem>> -> memref<1x16xf32, #tpu.memory_space<vmem>>
      %dma_start3A_175 = tpu.memref_squeeze %dma_start3A_174 : memref<1x16xf32, #tpu.memory_space<vmem>> -> memref<16xf32, #tpu.memory_space<vmem>>
      %dma_start3A_176 = arith.constant 0 : i32
      %dma_start3A_177 = tpu.memref_slice %arg10[%dma_start3A_176] : memref<150xf32, #tpu.memory_space<hbm>> -> memref<150xf32, #tpu.memory_space<hbm>>
      tpu.enqueue_indirect_dma source(%dma_start3A_177 : memref<150xf32, #tpu.memory_space<hbm>>) target(%dma_start3A_175 : memref<16xf32, #tpu.memory_space<vmem>>) offsets(%add3A_171 : vector<16xi32>) semaphore(%arg21 : memref<!tpu.dma_semaphore, #tpu.memory_space<semaphore_mem>>)
      %add3A_178 = arith.constant 2 : i32
      %add3A_179 = vector.broadcast %add3A_178 : i32 to vector<16xi32>
      %add3A_180 = arith.addi %mul3A_159, %add3A_179 : vector<16xi32>
      %dma_start3A_181 = arith.constant 17 : i32
      %dma_start3A_182 = arith.constant 0 : i32
      %dma_start3A_183 = tpu.memref_slice %arg18[%dma_start3A_181, %dma_start3A_182] : memref<24x16xf32, #tpu.memory_space<vmem>> -> memref<1x16xf32, #tpu.memory_space<vmem>>
      %dma_start3A_184 = tpu.memref_squeeze %dma_start3A_183 : memref<1x16xf32, #tpu.memory_space<vmem>> -> memref<16xf32, #tpu.memory_space<vmem>>
      %dma_start3A_185 = arith.constant 0 : i32
      %dma_start3A_186 = tpu.memref_slice %arg10[%dma_start3A_185] : memref<150xf32, #tpu.memory_space<hbm>> -> memref<150xf32, #tpu.memory_space<hbm>>
      tpu.enqueue_indirect_dma source(%dma_start3A_186 : memref<150xf32, #tpu.memory_space<hbm>>) target(%dma_start3A_184 : memref<16xf32, #tpu.memory_space<vmem>>) offsets(%add3A_180 : vector<16xi32>) semaphore(%arg21 : memref<!tpu.dma_semaphore, #tpu.memory_space<semaphore_mem>>)
      %mul3A_187 = arith.constant 3 : i32
      %mul3A_188 = vector.broadcast %mul3A_187 : i32 to vector<16xi32>
      %mul3A_189 = arith.muli %get3A_7, %mul3A_188 : vector<16xi32>
      %add3A_190 = arith.constant 0 : i32
      %add3A_191 = vector.broadcast %add3A_190 : i32 to vector<16xi32>
      %add3A_192 = arith.addi %mul3A_189, %add3A_191 : vector<16xi32>
      %dma_start3A_193 = arith.constant 18 : i32
      %dma_start3A_194 = arith.constant 0 : i32
      %dma_start3A_195 = tpu.memref_slice %arg18[%dma_start3A_193, %dma_start3A_194] : memref<24x16xf32, #tpu.memory_space<vmem>> -> memref<1x16xf32, #tpu.memory_space<vmem>>
      %dma_start3A_196 = tpu.memref_squeeze %dma_start3A_195 : memref<1x16xf32, #tpu.memory_space<vmem>> -> memref<16xf32, #tpu.memory_space<vmem>>
      %dma_start3A_197 = arith.constant 0 : i32
      %dma_start3A_198 = tpu.memref_slice %arg11[%dma_start3A_197] : memref<15000xf32, #tpu.memory_space<hbm>> -> memref<15000xf32, #tpu.memory_space<hbm>>
      tpu.enqueue_indirect_dma source(%dma_start3A_198 : memref<15000xf32, #tpu.memory_space<hbm>>) target(%dma_start3A_196 : memref<16xf32, #tpu.memory_space<vmem>>) offsets(%add3A_192 : vector<16xi32>) semaphore(%arg21 : memref<!tpu.dma_semaphore, #tpu.memory_space<semaphore_mem>>)
      %add3A_199 = arith.constant 1 : i32
      %add3A_200 = vector.broadcast %add3A_199 : i32 to vector<16xi32>
      %add3A_201 = arith.addi %mul3A_189, %add3A_200 : vector<16xi32>
      %dma_start3A_202 = arith.constant 19 : i32
      %dma_start3A_203 = arith.constant 0 : i32
      %dma_start3A_204 = tpu.memref_slice %arg18[%dma_start3A_202, %dma_start3A_203] : memref<24x16xf32, #tpu.memory_space<vmem>> -> memref<1x16xf32, #tpu.memory_space<vmem>>
      %dma_start3A_205 = tpu.memref_squeeze %dma_start3A_204 : memref<1x16xf32, #tpu.memory_space<vmem>> -> memref<16xf32, #tpu.memory_space<vmem>>
      %dma_start3A_206 = arith.constant 0 : i32
      %dma_start3A_207 = tpu.memref_slice %arg11[%dma_start3A_206] : memref<15000xf32, #tpu.memory_space<hbm>> -> memref<15000xf32, #tpu.memory_space<hbm>>
      tpu.enqueue_indirect_dma source(%dma_start3A_207 : memref<15000xf32, #tpu.memory_space<hbm>>) target(%dma_start3A_205 : memref<16xf32, #tpu.memory_space<vmem>>) offsets(%add3A_201 : vector<16xi32>) semaphore(%arg21 : memref<!tpu.dma_semaphore, #tpu.memory_space<semaphore_mem>>)
      %add3A_208 = arith.constant 2 : i32
      %add3A_209 = vector.broadcast %add3A_208 : i32 to vector<16xi32>
      %add3A_210 = arith.addi %mul3A_189, %add3A_209 : vector<16xi32>
      %dma_start3A_211 = arith.constant 20 : i32
      %dma_start3A_212 = arith.constant 0 : i32
      %dma_start3A_213 = tpu.memref_slice %arg18[%dma_start3A_211, %dma_start3A_212] : memref<24x16xf32, #tpu.memory_space<vmem>> -> memref<1x16xf32, #tpu.memory_space<vmem>>
      %dma_start3A_214 = tpu.memref_squeeze %dma_start3A_213 : memref<1x16xf32, #tpu.memory_space<vmem>> -> memref<16xf32, #tpu.memory_space<vmem>>
      %dma_start3A_215 = arith.constant 0 : i32
      %dma_start3A_216 = tpu.memref_slice %arg11[%dma_start3A_215] : memref<15000xf32, #tpu.memory_space<hbm>> -> memref<15000xf32, #tpu.memory_space<hbm>>
      tpu.enqueue_indirect_dma source(%dma_start3A_216 : memref<15000xf32, #tpu.memory_space<hbm>>) target(%dma_start3A_214 : memref<16xf32, #tpu.memory_space<vmem>>) offsets(%add3A_210 : vector<16xi32>) semaphore(%arg21 : memref<!tpu.dma_semaphore, #tpu.memory_space<semaphore_mem>>)
      %mul3A_217 = arith.constant 3 : i32
      %mul3A_218 = vector.broadcast %mul3A_217 : i32 to vector<16xi32>
      %mul3A_219 = arith.muli %get3A_7, %mul3A_218 : vector<16xi32>
      %add3A_220 = arith.constant 0 : i32
      %add3A_221 = vector.broadcast %add3A_220 : i32 to vector<16xi32>
      %add3A_222 = arith.addi %mul3A_219, %add3A_221 : vector<16xi32>
      %dma_start3A_223 = arith.constant 21 : i32
      %dma_start3A_224 = arith.constant 0 : i32
      %dma_start3A_225 = tpu.memref_slice %arg18[%dma_start3A_223, %dma_start3A_224] : memref<24x16xf32, #tpu.memory_space<vmem>> -> memref<1x16xf32, #tpu.memory_space<vmem>>
      %dma_start3A_226 = tpu.memref_squeeze %dma_start3A_225 : memref<1x16xf32, #tpu.memory_space<vmem>> -> memref<16xf32, #tpu.memory_space<vmem>>
      %dma_start3A_227 = arith.constant 0 : i32
      %dma_start3A_228 = tpu.memref_slice %arg12[%dma_start3A_227] : memref<15000xf32, #tpu.memory_space<hbm>> -> memref<15000xf32, #tpu.memory_space<hbm>>
      tpu.enqueue_indirect_dma source(%dma_start3A_228 : memref<15000xf32, #tpu.memory_space<hbm>>) target(%dma_start3A_226 : memref<16xf32, #tpu.memory_space<vmem>>) offsets(%add3A_222 : vector<16xi32>) semaphore(%arg21 : memref<!tpu.dma_semaphore, #tpu.memory_space<semaphore_mem>>)
      %add3A_229 = arith.constant 1 : i32
      %add3A_230 = vector.broadcast %add3A_229 : i32 to vector<16xi32>
      %add3A_231 = arith.addi %mul3A_219, %add3A_230 : vector<16xi32>
      %dma_start3A_232 = arith.constant 22 : i32
      %dma_start3A_233 = arith.constant 0 : i32
      %dma_start3A_234 = tpu.memref_slice %arg18[%dma_start3A_232, %dma_start3A_233] : memref<24x16xf32, #tpu.memory_space<vmem>> -> memref<1x16xf32, #tpu.memory_space<vmem>>
      %dma_start3A_235 = tpu.memref_squeeze %dma_start3A_234 : memref<1x16xf32, #tpu.memory_space<vmem>> -> memref<16xf32, #tpu.memory_space<vmem>>
      %dma_start3A_236 = arith.constant 0 : i32
      %dma_start3A_237 = tpu.memref_slice %arg12[%dma_start3A_236] : memref<15000xf32, #tpu.memory_space<hbm>> -> memref<15000xf32, #tpu.memory_space<hbm>>
      tpu.enqueue_indirect_dma source(%dma_start3A_237 : memref<15000xf32, #tpu.memory_space<hbm>>) target(%dma_start3A_235 : memref<16xf32, #tpu.memory_space<vmem>>) offsets(%add3A_231 : vector<16xi32>) semaphore(%arg21 : memref<!tpu.dma_semaphore, #tpu.memory_space<semaphore_mem>>)
      %add3A_238 = arith.constant 2 : i32
      %add3A_239 = vector.broadcast %add3A_238 : i32 to vector<16xi32>
      %add3A_240 = arith.addi %mul3A_219, %add3A_239 : vector<16xi32>
      %dma_start3A_241 = arith.constant 23 : i32
      %dma_start3A_242 = arith.constant 0 : i32
      %dma_start3A_243 = tpu.memref_slice %arg18[%dma_start3A_241, %dma_start3A_242] : memref<24x16xf32, #tpu.memory_space<vmem>> -> memref<1x16xf32, #tpu.memory_space<vmem>>
      %dma_start3A_244 = tpu.memref_squeeze %dma_start3A_243 : memref<1x16xf32, #tpu.memory_space<vmem>> -> memref<16xf32, #tpu.memory_space<vmem>>
      %dma_start3A_245 = arith.constant 0 : i32
      %dma_start3A_246 = tpu.memref_slice %arg12[%dma_start3A_245] : memref<15000xf32, #tpu.memory_space<hbm>> -> memref<15000xf32, #tpu.memory_space<hbm>>
      tpu.enqueue_indirect_dma source(%dma_start3A_246 : memref<15000xf32, #tpu.memory_space<hbm>>) target(%dma_start3A_244 : memref<16xf32, #tpu.memory_space<vmem>>) offsets(%add3A_240 : vector<16xi32>) semaphore(%arg21 : memref<!tpu.dma_semaphore, #tpu.memory_space<semaphore_mem>>)
      %dma_wait3A = arith.constant 0 : i32
      %dma_wait3A_247 = arith.constant 0 : i32
      %dma_wait3A_248 = tpu.memref_slice %arg18[%dma_wait3A, %dma_wait3A_247] : memref<24x16xf32, #tpu.memory_space<vmem>> -> memref<1x16xf32, #tpu.memory_space<vmem>>
      %dma_wait3A_249 = tpu.memref_squeeze %dma_wait3A_248 : memref<1x16xf32, #tpu.memory_space<vmem>> -> memref<16xf32, #tpu.memory_space<vmem>>
      %dma_wait3A_250 = arith.constant 0 : i32
      %dma_wait3A_251 = tpu.memref_slice %arg5[%dma_wait3A_250] : memref<300xf32, #tpu.memory_space<hbm>> -> memref<300xf32, #tpu.memory_space<hbm>>
      tpu.wait_indirect_dma semaphore(%arg21 : memref<!tpu.dma_semaphore, #tpu.memory_space<semaphore_mem>>) src(%dma_wait3A_251 : memref<300xf32, #tpu.memory_space<hbm>>) dst(%dma_wait3A_249 : memref<16xf32, #tpu.memory_space<vmem>>)
      %dma_wait3A_252 = arith.constant 1 : i32
      %dma_wait3A_253 = arith.constant 0 : i32
      %dma_wait3A_254 = tpu.memref_slice %arg18[%dma_wait3A_252, %dma_wait3A_253] : memref<24x16xf32, #tpu.memory_space<vmem>> -> memref<1x16xf32, #tpu.memory_space<vmem>>
      %dma_wait3A_255 = tpu.memref_squeeze %dma_wait3A_254 : memref<1x16xf32, #tpu.memory_space<vmem>> -> memref<16xf32, #tpu.memory_space<vmem>>
      %dma_wait3A_256 = arith.constant 0 : i32
      %dma_wait3A_257 = tpu.memref_slice %arg5[%dma_wait3A_256] : memref<300xf32, #tpu.memory_space<hbm>> -> memref<300xf32, #tpu.memory_space<hbm>>
      tpu.wait_indirect_dma semaphore(%arg21 : memref<!tpu.dma_semaphore, #tpu.memory_space<semaphore_mem>>) src(%dma_wait3A_257 : memref<300xf32, #tpu.memory_space<hbm>>) dst(%dma_wait3A_255 : memref<16xf32, #tpu.memory_space<vmem>>)
      %dma_wait3A_258 = arith.constant 2 : i32
      %dma_wait3A_259 = arith.constant 0 : i32
      %dma_wait3A_260 = tpu.memref_slice %arg18[%dma_wait3A_258, %dma_wait3A_259] : memref<24x16xf32, #tpu.memory_space<vmem>> -> memref<1x16xf32, #tpu.memory_space<vmem>>
      %dma_wait3A_261 = tpu.memref_squeeze %dma_wait3A_260 : memref<1x16xf32, #tpu.memory_space<vmem>> -> memref<16xf32, #tpu.memory_space<vmem>>
      %dma_wait3A_262 = arith.constant 0 : i32
      %dma_wait3A_263 = tpu.memref_slice %arg5[%dma_wait3A_262] : memref<300xf32, #tpu.memory_space<hbm>> -> memref<300xf32, #tpu.memory_space<hbm>>
      tpu.wait_indirect_dma semaphore(%arg21 : memref<!tpu.dma_semaphore, #tpu.memory_space<semaphore_mem>>) src(%dma_wait3A_263 : memref<300xf32, #tpu.memory_space<hbm>>) dst(%dma_wait3A_261 : memref<16xf32, #tpu.memory_space<vmem>>)
      %dma_wait3A_264 = arith.constant 3 : i32
      %dma_wait3A_265 = arith.constant 0 : i32
      %dma_wait3A_266 = tpu.memref_slice %arg18[%dma_wait3A_264, %dma_wait3A_265] : memref<24x16xf32, #tpu.memory_space<vmem>> -> memref<1x16xf32, #tpu.memory_space<vmem>>
      %dma_wait3A_267 = tpu.memref_squeeze %dma_wait3A_266 : memref<1x16xf32, #tpu.memory_space<vmem>> -> memref<16xf32, #tpu.memory_space<vmem>>
      %dma_wait3A_268 = arith.constant 0 : i32
      %dma_wait3A_269 = tpu.memref_slice %arg6[%dma_wait3A_268] : memref<300xf32, #tpu.memory_space<hbm>> -> memref<300xf32, #tpu.memory_space<hbm>>
      tpu.wait_indirect_dma semaphore(%arg21 : memref<!tpu.dma_semaphore, #tpu.memory_space<semaphore_mem>>) src(%dma_wait3A_269 : memref<300xf32, #tpu.memory_space<hbm>>) dst(%dma_wait3A_267 : memref<16xf32, #tpu.memory_space<vmem>>)
      %dma_wait3A_270 = arith.constant 4 : i32
      %dma_wait3A_271 = arith.constant 0 : i32
      %dma_wait3A_272 = tpu.memref_slice %arg18[%dma_wait3A_270, %dma_wait3A_271] : memref<24x16xf32, #tpu.memory_space<vmem>> -> memref<1x16xf32, #tpu.memory_space<vmem>>
      %dma_wait3A_273 = tpu.memref_squeeze %dma_wait3A_272 : memref<1x16xf32, #tpu.memory_space<vmem>> -> memref<16xf32, #tpu.memory_space<vmem>>
      %dma_wait3A_274 = arith.constant 0 : i32
      %dma_wait3A_275 = tpu.memref_slice %arg6[%dma_wait3A_274] : memref<300xf32, #tpu.memory_space<hbm>> -> memref<300xf32, #tpu.memory_space<hbm>>
      tpu.wait_indirect_dma semaphore(%arg21 : memref<!tpu.dma_semaphore, #tpu.memory_space<semaphore_mem>>) src(%dma_wait3A_275 : memref<300xf32, #tpu.memory_space<hbm>>) dst(%dma_wait3A_273 : memref<16xf32, #tpu.memory_space<vmem>>)
      %dma_wait3A_276 = arith.constant 5 : i32
      %dma_wait3A_277 = arith.constant 0 : i32
      %dma_wait3A_278 = tpu.memref_slice %arg18[%dma_wait3A_276, %dma_wait3A_277] : memref<24x16xf32, #tpu.memory_space<vmem>> -> memref<1x16xf32, #tpu.memory_space<vmem>>
      %dma_wait3A_279 = tpu.memref_squeeze %dma_wait3A_278 : memref<1x16xf32, #tpu.memory_space<vmem>> -> memref<16xf32, #tpu.memory_space<vmem>>
      %dma_wait3A_280 = arith.constant 0 : i32
      %dma_wait3A_281 = tpu.memref_slice %arg6[%dma_wait3A_280] : memref<300xf32, #tpu.memory_space<hbm>> -> memref<300xf32, #tpu.memory_space<hbm>>
      tpu.wait_indirect_dma semaphore(%arg21 : memref<!tpu.dma_semaphore, #tpu.memory_space<semaphore_mem>>) src(%dma_wait3A_281 : memref<300xf32, #tpu.memory_space<hbm>>) dst(%dma_wait3A_279 : memref<16xf32, #tpu.memory_space<vmem>>)
      %dma_wait3A_282 = arith.constant 6 : i32
      %dma_wait3A_283 = arith.constant 0 : i32
      %dma_wait3A_284 = tpu.memref_slice %arg18[%dma_wait3A_282, %dma_wait3A_283] : memref<24x16xf32, #tpu.memory_space<vmem>> -> memref<1x16xf32, #tpu.memory_space<vmem>>
      %dma_wait3A_285 = tpu.memref_squeeze %dma_wait3A_284 : memref<1x16xf32, #tpu.memory_space<vmem>> -> memref<16xf32, #tpu.memory_space<vmem>>
      %dma_wait3A_286 = arith.constant 0 : i32
      %dma_wait3A_287 = tpu.memref_slice %arg7[%dma_wait3A_286] : memref<30000xf32, #tpu.memory_space<hbm>> -> memref<30000xf32, #tpu.memory_space<hbm>>
      tpu.wait_indirect_dma semaphore(%arg21 : memref<!tpu.dma_semaphore, #tpu.memory_space<semaphore_mem>>) src(%dma_wait3A_287 : memref<30000xf32, #tpu.memory_space<hbm>>) dst(%dma_wait3A_285 : memref<16xf32, #tpu.memory_space<vmem>>)
      %dma_wait3A_288 = arith.constant 7 : i32
      %dma_wait3A_289 = arith.constant 0 : i32
      %dma_wait3A_290 = tpu.memref_slice %arg18[%dma_wait3A_288, %dma_wait3A_289] : memref<24x16xf32, #tpu.memory_space<vmem>> -> memref<1x16xf32, #tpu.memory_space<vmem>>
      %dma_wait3A_291 = tpu.memref_squeeze %dma_wait3A_290 : memref<1x16xf32, #tpu.memory_space<vmem>> -> memref<16xf32, #tpu.memory_space<vmem>>
      %dma_wait3A_292 = arith.constant 0 : i32
      %dma_wait3A_293 = tpu.memref_slice %arg7[%dma_wait3A_292] : memref<30000xf32, #tpu.memory_space<hbm>> -> memref<30000xf32, #tpu.memory_space<hbm>>
      tpu.wait_indirect_dma semaphore(%arg21 : memref<!tpu.dma_semaphore, #tpu.memory_space<semaphore_mem>>) src(%dma_wait3A_293 : memref<30000xf32, #tpu.memory_space<hbm>>) dst(%dma_wait3A_291 : memref<16xf32, #tpu.memory_space<vmem>>)
      %dma_wait3A_294 = arith.constant 8 : i32
      %dma_wait3A_295 = arith.constant 0 : i32
      %dma_wait3A_296 = tpu.memref_slice %arg18[%dma_wait3A_294, %dma_wait3A_295] : memref<24x16xf32, #tpu.memory_space<vmem>> -> memref<1x16xf32, #tpu.memory_space<vmem>>
      %dma_wait3A_297 = tpu.memref_squeeze %dma_wait3A_296 : memref<1x16xf32, #tpu.memory_space<vmem>> -> memref<16xf32, #tpu.memory_space<vmem>>
      %dma_wait3A_298 = arith.constant 0 : i32
      %dma_wait3A_299 = tpu.memref_slice %arg7[%dma_wait3A_298] : memref<30000xf32, #tpu.memory_space<hbm>> -> memref<30000xf32, #tpu.memory_space<hbm>>
      tpu.wait_indirect_dma semaphore(%arg21 : memref<!tpu.dma_semaphore, #tpu.memory_space<semaphore_mem>>) src(%dma_wait3A_299 : memref<30000xf32, #tpu.memory_space<hbm>>) dst(%dma_wait3A_297 : memref<16xf32, #tpu.memory_space<vmem>>)
      %dma_wait3A_300 = arith.constant 9 : i32
      %dma_wait3A_301 = arith.constant 0 : i32
      %dma_wait3A_302 = tpu.memref_slice %arg18[%dma_wait3A_300, %dma_wait3A_301] : memref<24x16xf32, #tpu.memory_space<vmem>> -> memref<1x16xf32, #tpu.memory_space<vmem>>
      %dma_wait3A_303 = tpu.memref_squeeze %dma_wait3A_302 : memref<1x16xf32, #tpu.memory_space<vmem>> -> memref<16xf32, #tpu.memory_space<vmem>>
      %dma_wait3A_304 = arith.constant 0 : i32
      %dma_wait3A_305 = tpu.memref_slice %arg8[%dma_wait3A_304] : memref<30000xf32, #tpu.memory_space<hbm>> -> memref<30000xf32, #tpu.memory_space<hbm>>
      tpu.wait_indirect_dma semaphore(%arg21 : memref<!tpu.dma_semaphore, #tpu.memory_space<semaphore_mem>>) src(%dma_wait3A_305 : memref<30000xf32, #tpu.memory_space<hbm>>) dst(%dma_wait3A_303 : memref<16xf32, #tpu.memory_space<vmem>>)
      %dma_wait3A_306 = arith.constant 10 : i32
      %dma_wait3A_307 = arith.constant 0 : i32
      %dma_wait3A_308 = tpu.memref_slice %arg18[%dma_wait3A_306, %dma_wait3A_307] : memref<24x16xf32, #tpu.memory_space<vmem>> -> memref<1x16xf32, #tpu.memory_space<vmem>>
      %dma_wait3A_309 = tpu.memref_squeeze %dma_wait3A_308 : memref<1x16xf32, #tpu.memory_space<vmem>> -> memref<16xf32, #tpu.memory_space<vmem>>
      %dma_wait3A_310 = arith.constant 0 : i32
      %dma_wait3A_311 = tpu.memref_slice %arg8[%dma_wait3A_310] : memref<30000xf32, #tpu.memory_space<hbm>> -> memref<30000xf32, #tpu.memory_space<hbm>>
      tpu.wait_indirect_dma semaphore(%arg21 : memref<!tpu.dma_semaphore, #tpu.memory_space<semaphore_mem>>) src(%dma_wait3A_311 : memref<30000xf32, #tpu.memory_space<hbm>>) dst(%dma_wait3A_309 : memref<16xf32, #tpu.memory_space<vmem>>)
      %dma_wait3A_312 = arith.constant 11 : i32
      %dma_wait3A_313 = arith.constant 0 : i32
      %dma_wait3A_314 = tpu.memref_slice %arg18[%dma_wait3A_312, %dma_wait3A_313] : memref<24x16xf32, #tpu.memory_space<vmem>> -> memref<1x16xf32, #tpu.memory_space<vmem>>
      %dma_wait3A_315 = tpu.memref_squeeze %dma_wait3A_314 : memref<1x16xf32, #tpu.memory_space<vmem>> -> memref<16xf32, #tpu.memory_space<vmem>>
      %dma_wait3A_316 = arith.constant 0 : i32
      %dma_wait3A_317 = tpu.memref_slice %arg8[%dma_wait3A_316] : memref<30000xf32, #tpu.memory_space<hbm>> -> memref<30000xf32, #tpu.memory_space<hbm>>
      tpu.wait_indirect_dma semaphore(%arg21 : memref<!tpu.dma_semaphore, #tpu.memory_space<semaphore_mem>>) src(%dma_wait3A_317 : memref<30000xf32, #tpu.memory_space<hbm>>) dst(%dma_wait3A_315 : memref<16xf32, #tpu.memory_space<vmem>>)
      %dma_wait3A_318 = arith.constant 12 : i32
      %dma_wait3A_319 = arith.constant 0 : i32
      %dma_wait3A_320 = tpu.memref_slice %arg18[%dma_wait3A_318, %dma_wait3A_319] : memref<24x16xf32, #tpu.memory_space<vmem>> -> memref<1x16xf32, #tpu.memory_space<vmem>>
      %dma_wait3A_321 = tpu.memref_squeeze %dma_wait3A_320 : memref<1x16xf32, #tpu.memory_space<vmem>> -> memref<16xf32, #tpu.memory_space<vmem>>
      %dma_wait3A_322 = arith.constant 0 : i32
      %dma_wait3A_323 = tpu.memref_slice %arg9[%dma_wait3A_322] : memref<150xf32, #tpu.memory_space<hbm>> -> memref<150xf32, #tpu.memory_space<hbm>>
      tpu.wait_indirect_dma semaphore(%arg21 : memref<!tpu.dma_semaphore, #tpu.memory_space<semaphore_mem>>) src(%dma_wait3A_323 : memref<150xf32, #tpu.memory_space<hbm>>) dst(%dma_wait3A_321 : memref<16xf32, #tpu.memory_space<vmem>>)
      %dma_wait3A_324 = arith.constant 13 : i32
      %dma_wait3A_325 = arith.constant 0 : i32
      %dma_wait3A_326 = tpu.memref_slice %arg18[%dma_wait3A_324, %dma_wait3A_325] : memref<24x16xf32, #tpu.memory_space<vmem>> -> memref<1x16xf32, #tpu.memory_space<vmem>>
      %dma_wait3A_327 = tpu.memref_squeeze %dma_wait3A_326 : memref<1x16xf32, #tpu.memory_space<vmem>> -> memref<16xf32, #tpu.memory_space<vmem>>
      %dma_wait3A_328 = arith.constant 0 : i32
      %dma_wait3A_329 = tpu.memref_slice %arg9[%dma_wait3A_328] : memref<150xf32, #tpu.memory_space<hbm>> -> memref<150xf32, #tpu.memory_space<hbm>>
      tpu.wait_indirect_dma semaphore(%arg21 : memref<!tpu.dma_semaphore, #tpu.memory_space<semaphore_mem>>) src(%dma_wait3A_329 : memref<150xf32, #tpu.memory_space<hbm>>) dst(%dma_wait3A_327 : memref<16xf32, #tpu.memory_space<vmem>>)
      %dma_wait3A_330 = arith.constant 14 : i32
      %dma_wait3A_331 = arith.constant 0 : i32
      %dma_wait3A_332 = tpu.memref_slice %arg18[%dma_wait3A_330, %dma_wait3A_331] : memref<24x16xf32, #tpu.memory_space<vmem>> -> memref<1x16xf32, #tpu.memory_space<vmem>>
      %dma_wait3A_333 = tpu.memref_squeeze %dma_wait3A_332 : memref<1x16xf32, #tpu.memory_space<vmem>> -> memref<16xf32, #tpu.memory_space<vmem>>
      %dma_wait3A_334 = arith.constant 0 : i32
      %dma_wait3A_335 = tpu.memref_slice %arg9[%dma_wait3A_334] : memref<150xf32, #tpu.memory_space<hbm>> -> memref<150xf32, #tpu.memory_space<hbm>>
      tpu.wait_indirect_dma semaphore(%arg21 : memref<!tpu.dma_semaphore, #tpu.memory_space<semaphore_mem>>) src(%dma_wait3A_335 : memref<150xf32, #tpu.memory_space<hbm>>) dst(%dma_wait3A_333 : memref<16xf32, #tpu.memory_space<vmem>>)
      %dma_wait3A_336 = arith.constant 15 : i32
      %dma_wait3A_337 = arith.constant 0 : i32
      %dma_wait3A_338 = tpu.memref_slice %arg18[%dma_wait3A_336, %dma_wait3A_337] : memref<24x16xf32, #tpu.memory_space<vmem>> -> memref<1x16xf32, #tpu.memory_space<vmem>>
      %dma_wait3A_339 = tpu.memref_squeeze %dma_wait3A_338 : memref<1x16xf32, #tpu.memory_space<vmem>> -> memref<16xf32, #tpu.memory_space<vmem>>
      %dma_wait3A_340 = arith.constant 0 : i32
      %dma_wait3A_341 = tpu.memref_slice %arg10[%dma_wait3A_340] : memref<150xf32, #tpu.memory_space<hbm>> -> memref<150xf32, #tpu.memory_space<hbm>>
      tpu.wait_indirect_dma semaphore(%arg21 : memref<!tpu.dma_semaphore, #tpu.memory_space<semaphore_mem>>) src(%dma_wait3A_341 : memref<150xf32, #tpu.memory_space<hbm>>) dst(%dma_wait3A_339 : memref<16xf32, #tpu.memory_space<vmem>>)
      %dma_wait3A_342 = arith.constant 16 : i32
      %dma_wait3A_343 = arith.constant 0 : i32
      %dma_wait3A_344 = tpu.memref_slice %arg18[%dma_wait3A_342, %dma_wait3A_343] : memref<24x16xf32, #tpu.memory_space<vmem>> -> memref<1x16xf32, #tpu.memory_space<vmem>>
      %dma_wait3A_345 = tpu.memref_squeeze %dma_wait3A_344 : memref<1x16xf32, #tpu.memory_space<vmem>> -> memref<16xf32, #tpu.memory_space<vmem>>
      %dma_wait3A_346 = arith.constant 0 : i32
      %dma_wait3A_347 = tpu.memref_slice %arg10[%dma_wait3A_346] : memref<150xf32, #tpu.memory_space<hbm>> -> memref<150xf32, #tpu.memory_space<hbm>>
      tpu.wait_indirect_dma semaphore(%arg21 : memref<!tpu.dma_semaphore, #tpu.memory_space<semaphore_mem>>) src(%dma_wait3A_347 : memref<150xf32, #tpu.memory_space<hbm>>) dst(%dma_wait3A_345 : memref<16xf32, #tpu.memory_space<vmem>>)
      %dma_wait3A_348 = arith.constant 17 : i32
      %dma_wait3A_349 = arith.constant 0 : i32
      %dma_wait3A_350 = tpu.memref_slice %arg18[%dma_wait3A_348, %dma_wait3A_349] : memref<24x16xf32, #tpu.memory_space<vmem>> -> memref<1x16xf32, #tpu.memory_space<vmem>>
      %dma_wait3A_351 = tpu.memref_squeeze %dma_wait3A_350 : memref<1x16xf32, #tpu.memory_space<vmem>> -> memref<16xf32, #tpu.memory_space<vmem>>
      %dma_wait3A_352 = arith.constant 0 : i32
      %dma_wait3A_353 = tpu.memref_slice %arg10[%dma_wait3A_352] : memref<150xf32, #tpu.memory_space<hbm>> -> memref<150xf32, #tpu.memory_space<hbm>>
      tpu.wait_indirect_dma semaphore(%arg21 : memref<!tpu.dma_semaphore, #tpu.memory_space<semaphore_mem>>) src(%dma_wait3A_353 : memref<150xf32, #tpu.memory_space<hbm>>) dst(%dma_wait3A_351 : memref<16xf32, #tpu.memory_space<vmem>>)
      %dma_wait3A_354 = arith.constant 18 : i32
      %dma_wait3A_355 = arith.constant 0 : i32
      %dma_wait3A_356 = tpu.memref_slice %arg18[%dma_wait3A_354, %dma_wait3A_355] : memref<24x16xf32, #tpu.memory_space<vmem>> -> memref<1x16xf32, #tpu.memory_space<vmem>>
      %dma_wait3A_357 = tpu.memref_squeeze %dma_wait3A_356 : memref<1x16xf32, #tpu.memory_space<vmem>> -> memref<16xf32, #tpu.memory_space<vmem>>
      %dma_wait3A_358 = arith.constant 0 : i32
      %dma_wait3A_359 = tpu.memref_slice %arg11[%dma_wait3A_358] : memref<15000xf32, #tpu.memory_space<hbm>> -> memref<15000xf32, #tpu.memory_space<hbm>>
      tpu.wait_indirect_dma semaphore(%arg21 : memref<!tpu.dma_semaphore, #tpu.memory_space<semaphore_mem>>) src(%dma_wait3A_359 : memref<15000xf32, #tpu.memory_space<hbm>>) dst(%dma_wait3A_357 : memref<16xf32, #tpu.memory_space<vmem>>)
      %dma_wait3A_360 = arith.constant 19 : i32
      %dma_wait3A_361 = arith.constant 0 : i32
      %dma_wait3A_362 = tpu.memref_slice %arg18[%dma_wait3A_360, %dma_wait3A_361] : memref<24x16xf32, #tpu.memory_space<vmem>> -> memref<1x16xf32, #tpu.memory_space<vmem>>
      %dma_wait3A_363 = tpu.memref_squeeze %dma_wait3A_362 : memref<1x16xf32, #tpu.memory_space<vmem>> -> memref<16xf32, #tpu.memory_space<vmem>>
      %dma_wait3A_364 = arith.constant 0 : i32
      %dma_wait3A_365 = tpu.memref_slice %arg11[%dma_wait3A_364] : memref<15000xf32, #tpu.memory_space<hbm>> -> memref<15000xf32, #tpu.memory_space<hbm>>
      tpu.wait_indirect_dma semaphore(%arg21 : memref<!tpu.dma_semaphore, #tpu.memory_space<semaphore_mem>>) src(%dma_wait3A_365 : memref<15000xf32, #tpu.memory_space<hbm>>) dst(%dma_wait3A_363 : memref<16xf32, #tpu.memory_space<vmem>>)
      %dma_wait3A_366 = arith.constant 20 : i32
      %dma_wait3A_367 = arith.constant 0 : i32
      %dma_wait3A_368 = tpu.memref_slice %arg18[%dma_wait3A_366, %dma_wait3A_367] : memref<24x16xf32, #tpu.memory_space<vmem>> -> memref<1x16xf32, #tpu.memory_space<vmem>>
      %dma_wait3A_369 = tpu.memref_squeeze %dma_wait3A_368 : memref<1x16xf32, #tpu.memory_space<vmem>> -> memref<16xf32, #tpu.memory_space<vmem>>
      %dma_wait3A_370 = arith.constant 0 : i32
      %dma_wait3A_371 = tpu.memref_slice %arg11[%dma_wait3A_370] : memref<15000xf32, #tpu.memory_space<hbm>> -> memref<15000xf32, #tpu.memory_space<hbm>>
      tpu.wait_indirect_dma semaphore(%arg21 : memref<!tpu.dma_semaphore, #tpu.memory_space<semaphore_mem>>) src(%dma_wait3A_371 : memref<15000xf32, #tpu.memory_space<hbm>>) dst(%dma_wait3A_369 : memref<16xf32, #tpu.memory_space<vmem>>)
      %dma_wait3A_372 = arith.constant 21 : i32
      %dma_wait3A_373 = arith.constant 0 : i32
      %dma_wait3A_374 = tpu.memref_slice %arg18[%dma_wait3A_372, %dma_wait3A_373] : memref<24x16xf32, #tpu.memory_space<vmem>> -> memref<1x16xf32, #tpu.memory_space<vmem>>
      %dma_wait3A_375 = tpu.memref_squeeze %dma_wait3A_374 : memref<1x16xf32, #tpu.memory_space<vmem>> -> memref<16xf32, #tpu.memory_space<vmem>>
      %dma_wait3A_376 = arith.constant 0 : i32
      %dma_wait3A_377 = tpu.memref_slice %arg12[%dma_wait3A_376] : memref<15000xf32, #tpu.memory_space<hbm>> -> memref<15000xf32, #tpu.memory_space<hbm>>
      tpu.wait_indirect_dma semaphore(%arg21 : memref<!tpu.dma_semaphore, #tpu.memory_space<semaphore_mem>>) src(%dma_wait3A_377 : memref<15000xf32, #tpu.memory_space<hbm>>) dst(%dma_wait3A_375 : memref<16xf32, #tpu.memory_space<vmem>>)
      %dma_wait3A_378 = arith.constant 22 : i32
      %dma_wait3A_379 = arith.constant 0 : i32
      %dma_wait3A_380 = tpu.memref_slice %arg18[%dma_wait3A_378, %dma_wait3A_379] : memref<24x16xf32, #tpu.memory_space<vmem>> -> memref<1x16xf32, #tpu.memory_space<vmem>>
      %dma_wait3A_381 = tpu.memref_squeeze %dma_wait3A_380 : memref<1x16xf32, #tpu.memory_space<vmem>> -> memref<16xf32, #tpu.memory_space<vmem>>
      %dma_wait3A_382 = arith.constant 0 : i32
      %dma_wait3A_383 = tpu.memref_slice %arg12[%dma_wait3A_382] : memref<15000xf32, #tpu.memory_space<hbm>> -> memref<15000xf32, #tpu.memory_space<hbm>>
      tpu.wait_indirect_dma semaphore(%arg21 : memref<!tpu.dma_semaphore, #tpu.memory_space<semaphore_mem>>) src(%dma_wait3A_383 : memref<15000xf32, #tpu.memory_space<hbm>>) dst(%dma_wait3A_381 : memref<16xf32, #tpu.memory_space<vmem>>)
      %dma_wait3A_384 = arith.constant 23 : i32
      %dma_wait3A_385 = arith.constant 0 : i32
      %dma_wait3A_386 = tpu.memref_slice %arg18[%dma_wait3A_384, %dma_wait3A_385] : memref<24x16xf32, #tpu.memory_space<vmem>> -> memref<1x16xf32, #tpu.memory_space<vmem>>
      %dma_wait3A_387 = tpu.memref_squeeze %dma_wait3A_386 : memref<1x16xf32, #tpu.memory_space<vmem>> -> memref<16xf32, #tpu.memory_space<vmem>>
      %dma_wait3A_388 = arith.constant 0 : i32
      %dma_wait3A_389 = tpu.memref_slice %arg12[%dma_wait3A_388] : memref<15000xf32, #tpu.memory_space<hbm>> -> memref<15000xf32, #tpu.memory_space<hbm>>
      tpu.wait_indirect_dma semaphore(%arg21 : memref<!tpu.dma_semaphore, #tpu.memory_space<semaphore_mem>>) src(%dma_wait3A_389 : memref<15000xf32, #tpu.memory_space<hbm>>) dst(%dma_wait3A_387 : memref<16xf32, #tpu.memory_space<vmem>>)
      %get3A_390 = arith.constant 0 : index
      %get3A_391 = tpu.vector_load %arg17[%get3A_390] {strides = array<i32>} : memref<16xi32, #tpu.memory_space<vmem>>, vector<16xi32>,
      %get3A_392 = vector.shape_cast %get3A_391 : vector<16xi32> to vector<16xi32>
      %eq3A_393 = arith.constant 0 : i32
      %eq3A_394 = vector.broadcast %eq3A_393 : i32 to vector<16xi32>
      %eq3A_395 = arith.cmpi eq, %get3A_392, %eq3A_394 : vector<16xi32>
      %get3A_396 = arith.constant 0 : i32
      %get3A_397 = arith.index_cast %get3A_396 : i32 to index
      %get3A_398 = arith.constant 0 : index
      %get3A_399 = tpu.vector_load %arg18[%get3A_397, %get3A_398] {strides = array<i32>} : memref<24x16xf32, #tpu.memory_space<vmem>>, vector<1x16xf32>,
      %get3A_400 = vector.shape_cast %get3A_399 : vector<1x16xf32> to vector<16xf32>
      %get3A_401 = arith.constant 6 : i32
      %get3A_402 = arith.index_cast %get3A_401 : i32 to index
      %get3A_403 = arith.constant 0 : index
      %get3A_404 = tpu.vector_load %arg18[%get3A_402, %get3A_403] {strides = array<i32>} : memref<24x16xf32, #tpu.memory_space<vmem>>, vector<1x16xf32>,
      %get3A_405 = vector.shape_cast %get3A_404 : vector<1x16xf32> to vector<16xf32>
      %add3A_406 = arith.addf %get3A_400, %get3A_405 : vector<16xf32>
      %get3A_407 = arith.constant 3 : i32
      %get3A_408 = arith.index_cast %get3A_407 : i32 to index
      %get3A_409 = arith.constant 0 : index
      %get3A_410 = tpu.vector_load %arg18[%get3A_408, %get3A_409] {strides = array<i32>} : memref<24x16xf32, #tpu.memory_space<vmem>>, vector<1x16xf32>,
      %get3A_411 = vector.shape_cast %get3A_410 : vector<1x16xf32> to vector<16xf32>
      %get3A_412 = arith.constant 9 : i32
      %get3A_413 = arith.index_cast %get3A_412 : i32 to index
      %get3A_414 = arith.constant 0 : index
      %get3A_415 = tpu.vector_load %arg18[%get3A_413, %get3A_414] {strides = array<i32>} : memref<24x16xf32, #tpu.memory_space<vmem>>, vector<1x16xf32>,
      %get3A_416 = vector.shape_cast %get3A_415 : vector<1x16xf32> to vector<16xf32>
      %add3A_417 = arith.addf %get3A_411, %get3A_416 : vector<16xf32>
      %get3A_418 = arith.constant 12 : i32
      %get3A_419 = arith.index_cast %get3A_418 : i32 to index
      %get3A_420 = arith.constant 0 : index
      %get3A_421 = tpu.vector_load %arg18[%get3A_419, %get3A_420] {strides = array<i32>} : memref<24x16xf32, #tpu.memory_space<vmem>>, vector<1x16xf32>,
      %get3A_422 = vector.shape_cast %get3A_421 : vector<1x16xf32> to vector<16xf32>
      %get3A_423 = arith.constant 18 : i32
      %get3A_424 = arith.index_cast %get3A_423 : i32 to index
      %get3A_425 = arith.constant 0 : index
      %get3A_426 = tpu.vector_load %arg18[%get3A_424, %get3A_425] {strides = array<i32>} : memref<24x16xf32, #tpu.memory_space<vmem>>, vector<1x16xf32>,
      %get3A_427 = vector.shape_cast %get3A_426 : vector<1x16xf32> to vector<16xf32>
      %add3A_428 = arith.addf %get3A_422, %get3A_427 : vector<16xf32>
      %get3A_429 = arith.constant 15 : i32
      %get3A_430 = arith.index_cast %get3A_429 : i32 to index
      %get3A_431 = arith.constant 0 : index
      %get3A_432 = tpu.vector_load %arg18[%get3A_430, %get3A_431] {strides = array<i32>} : memref<24x16xf32, #tpu.memory_space<vmem>>, vector<1x16xf32>,
      %get3A_433 = vector.shape_cast %get3A_432 : vector<1x16xf32> to vector<16xf32>
      %get3A_434 = arith.constant 21 : i32
      %get3A_435 = arith.index_cast %get3A_434 : i32 to index
      %get3A_436 = arith.constant 0 : index
      %get3A_437 = tpu.vector_load %arg18[%get3A_435, %get3A_436] {strides = array<i32>} : memref<24x16xf32, #tpu.memory_space<vmem>>, vector<1x16xf32>,
      %get3A_438 = vector.shape_cast %get3A_437 : vector<1x16xf32> to vector<16xf32>
      %add3A_439 = arith.addf %get3A_433, %get3A_438 : vector<16xf32>
      %select_n3A = arith.select %eq3A_395, %add3A_406, %add3A_428 : vector<16xi1>, vector<16xf32>
      %swap3A = arith.constant 0 : i32
      %swap3A_440 = arith.index_cast %swap3A : i32 to index
      %swap3A_441 = arith.constant 0 : index
      %swap3A_442 = tpu.vector_load %arg19[%swap3A_440, %swap3A_441] {strides = array<i32>} : memref<3x16xf32, #tpu.memory_space<vmem>>, vector<1x16xf32>,
      %swap3A_443 = vector.shape_cast %swap3A_442 : vector<1x16xf32> to vector<16xf32>
      %swap3A_444 = vector.shape_cast %select_n3A : vector<16xf32> to vector<1x16xf32>
      tpu.vector_store %arg19[%swap3A_440, %swap3A_441], %swap3A_444 {strides = array<i32>} : memref<3x16xf32, #tpu.memory_space<vmem>>, vector<1x16xf32>,
      %select_n3A_445 = arith.select %eq3A_395, %add3A_417, %add3A_439 : vector<16xi1>, vector<16xf32>
      %swap3A_446 = arith.constant 0 : i32
      %swap3A_447 = arith.index_cast %swap3A_446 : i32 to index
      %swap3A_448 = arith.constant 0 : index
      %swap3A_449 = tpu.vector_load %arg20[%swap3A_447, %swap3A_448] {strides = array<i32>} : memref<3x16xf32, #tpu.memory_space<vmem>>, vector<1x16xf32>,
      %swap3A_450 = vector.shape_cast %swap3A_449 : vector<1x16xf32> to vector<16xf32>
      %swap3A_451 = vector.shape_cast %select_n3A_445 : vector<16xf32> to vector<1x16xf32>
      tpu.vector_store %arg20[%swap3A_447, %swap3A_448], %swap3A_451 {strides = array<i32>} : memref<3x16xf32, #tpu.memory_space<vmem>>, vector<1x16xf32>,
      %get3A_452 = arith.constant 1 : i32
      %get3A_453 = arith.index_cast %get3A_452 : i32 to index
      %get3A_454 = arith.constant 0 : index
      %get3A_455 = tpu.vector_load %arg18[%get3A_453, %get3A_454] {strides = array<i32>} : memref<24x16xf32, #tpu.memory_space<vmem>>, vector<1x16xf32>,
      %get3A_456 = vector.shape_cast %get3A_455 : vector<1x16xf32> to vector<16xf32>
      %get3A_457 = arith.constant 7 : i32
      %get3A_458 = arith.index_cast %get3A_457 : i32 to index
      %get3A_459 = arith.constant 0 : index
      %get3A_460 = tpu.vector_load %arg18[%get3A_458, %get3A_459] {strides = array<i32>} : memref<24x16xf32, #tpu.memory_space<vmem>>, vector<1x16xf32>,
      %get3A_461 = vector.shape_cast %get3A_460 : vector<1x16xf32> to vector<16xf32>
      %add3A_462 = arith.addf %get3A_456, %get3A_461 : vector<16xf32>
      %get3A_463 = arith.constant 4 : i32
      %get3A_464 = arith.index_cast %get3A_463 : i32 to index
      %get3A_465 = arith.constant 0 : index
      %get3A_466 = tpu.vector_load %arg18[%get3A_464, %get3A_465] {strides = array<i32>} : memref<24x16xf32, #tpu.memory_space<vmem>>, vector<1x16xf32>,
      %get3A_467 = vector.shape_cast %get3A_466 : vector<1x16xf32> to vector<16xf32>
      %get3A_468 = arith.constant 10 : i32
      %get3A_469 = arith.index_cast %get3A_468 : i32 to index
      %get3A_470 = arith.constant 0 : index
      %get3A_471 = tpu.vector_load %arg18[%get3A_469, %get3A_470] {strides = array<i32>} : memref<24x16xf32, #tpu.memory_space<vmem>>, vector<1x16xf32>,
      %get3A_472 = vector.shape_cast %get3A_471 : vector<1x16xf32> to vector<16xf32>
      %add3A_473 = arith.addf %get3A_467, %get3A_472 : vector<16xf32>
      %get3A_474 = arith.constant 13 : i32
      %get3A_475 = arith.index_cast %get3A_474 : i32 to index
      %get3A_476 = arith.constant 0 : index
      %get3A_477 = tpu.vector_load %arg18[%get3A_475, %get3A_476] {strides = array<i32>} : memref<24x16xf32, #tpu.memory_space<vmem>>, vector<1x16xf32>,
      %get3A_478 = vector.shape_cast %get3A_477 : vector<1x16xf32> to vector<16xf32>
      %get3A_479 = arith.constant 19 : i32
      %get3A_480 = arith.index_cast %get3A_479 : i32 to index
      %get3A_481 = arith.constant 0 : index
      %get3A_482 = tpu.vector_load %arg18[%get3A_480, %get3A_481] {strides = array<i32>} : memref<24x16xf32, #tpu.memory_space<vmem>>, vector<1x16xf32>,
      %get3A_483 = vector.shape_cast %get3A_482 : vector<1x16xf32> to vector<16xf32>
      %add3A_484 = arith.addf %get3A_478, %get3A_483 : vector<16xf32>
      %get3A_485 = arith.constant 16 : i32
      %get3A_486 = arith.index_cast %get3A_485 : i32 to index
      %get3A_487 = arith.constant 0 : index
      %get3A_488 = tpu.vector_load %arg18[%get3A_486, %get3A_487] {strides = array<i32>} : memref<24x16xf32, #tpu.memory_space<vmem>>, vector<1x16xf32>,
      %get3A_489 = vector.shape_cast %get3A_488 : vector<1x16xf32> to vector<16xf32>
      %get3A_490 = arith.constant 22 : i32
      %get3A_491 = arith.index_cast %get3A_490 : i32 to index
      %get3A_492 = arith.constant 0 : index
      %get3A_493 = tpu.vector_load %arg18[%get3A_491, %get3A_492] {strides = array<i32>} : memref<24x16xf32, #tpu.memory_space<vmem>>, vector<1x16xf32>,
      %get3A_494 = vector.shape_cast %get3A_493 : vector<1x16xf32> to vector<16xf32>
      %add3A_495 = arith.addf %get3A_489, %get3A_494 : vector<16xf32>
      %select_n3A_496 = arith.select %eq3A_395, %add3A_462, %add3A_484 : vector<16xi1>, vector<16xf32>
      %swap3A_497 = arith.constant 1 : i32
      %swap3A_498 = arith.index_cast %swap3A_497 : i32 to index
      %swap3A_499 = arith.constant 0 : index
      %swap3A_500 = tpu.vector_load %arg19[%swap3A_498, %swap3A_499] {strides = array<i32>} : memref<3x16xf32, #tpu.memory_space<vmem>>, vector<1x16xf32>,
      %swap3A_501 = vector.shape_cast %swap3A_500 : vector<1x16xf32> to vector<16xf32>
      %swap3A_502 = vector.shape_cast %select_n3A_496 : vector<16xf32> to vector<1x16xf32>
      tpu.vector_store %arg19[%swap3A_498, %swap3A_499], %swap3A_502 {strides = array<i32>} : memref<3x16xf32, #tpu.memory_space<vmem>>, vector<1x16xf32>,
      %select_n3A_503 = arith.select %eq3A_395, %add3A_473, %add3A_495 : vector<16xi1>, vector<16xf32>
      %swap3A_504 = arith.constant 1 : i32
      %swap3A_505 = arith.index_cast %swap3A_504 : i32 to index
      %swap3A_506 = arith.constant 0 : index
      %swap3A_507 = tpu.vector_load %arg20[%swap3A_505, %swap3A_506] {strides = array<i32>} : memref<3x16xf32, #tpu.memory_space<vmem>>, vector<1x16xf32>,
      %swap3A_508 = vector.shape_cast %swap3A_507 : vector<1x16xf32> to vector<16xf32>
      %swap3A_509 = vector.shape_cast %select_n3A_503 : vector<16xf32> to vector<1x16xf32>
      tpu.vector_store %arg20[%swap3A_505, %swap3A_506], %swap3A_509 {strides = array<i32>} : memref<3x16xf32, #tpu.memory_space<vmem>>, vector<1x16xf32>,
      %get3A_510 = arith.constant 2 : i32
      %get3A_511 = arith.index_cast %get3A_510 : i32 to index
      %get3A_512 = arith.constant 0 : index
      %get3A_513 = tpu.vector_load %arg18[%get3A_511, %get3A_512] {strides = array<i32>} : memref<24x16xf32, #tpu.memory_space<vmem>>, vector<1x16xf32>,
      %get3A_514 = vector.shape_cast %get3A_513 : vector<1x16xf32> to vector<16xf32>
      %get3A_515 = arith.constant 8 : i32
      %get3A_516 = arith.index_cast %get3A_515 : i32 to index
      %get3A_517 = arith.constant 0 : index
      %get3A_518 = tpu.vector_load %arg18[%get3A_516, %get3A_517] {strides = array<i32>} : memref<24x16xf32, #tpu.memory_space<vmem>>, vector<1x16xf32>,
      %get3A_519 = vector.shape_cast %get3A_518 : vector<1x16xf32> to vector<16xf32>
      %add3A_520 = arith.addf %get3A_514, %get3A_519 : vector<16xf32>
      %get3A_521 = arith.constant 5 : i32
      %get3A_522 = arith.index_cast %get3A_521 : i32 to index
      %get3A_523 = arith.constant 0 : index
      %get3A_524 = tpu.vector_load %arg18[%get3A_522, %get3A_523] {strides = array<i32>} : memref<24x16xf32, #tpu.memory_space<vmem>>, vector<1x16xf32>,
      %get3A_525 = vector.shape_cast %get3A_524 : vector<1x16xf32> to vector<16xf32>
      %get3A_526 = arith.constant 11 : i32
      %get3A_527 = arith.index_cast %get3A_526 : i32 to index
      %get3A_528 = arith.constant 0 : index
      %get3A_529 = tpu.vector_load %arg18[%get3A_527, %get3A_528] {strides = array<i32>} : memref<24x16xf32, #tpu.memory_space<vmem>>, vector<1x16xf32>,
      %get3A_530 = vector.shape_cast %get3A_529 : vector<1x16xf32> to vector<16xf32>
      %add3A_531 = arith.addf %get3A_525, %get3A_530 : vector<16xf32>
      %get3A_532 = arith.constant 14 : i32
      %get3A_533 = arith.index_cast %get3A_532 : i32 to index
      %get3A_534 = arith.constant 0 : index
      %get3A_535 = tpu.vector_load %arg18[%get3A_533, %get3A_534] {strides = array<i32>} : memref<24x16xf32, #tpu.memory_space<vmem>>, vector<1x16xf32>,
      %get3A_536 = vector.shape_cast %get3A_535 : vector<1x16xf32> to vector<16xf32>
      %get3A_537 = arith.constant 20 : i32
      %get3A_538 = arith.index_cast %get3A_537 : i32 to index
      %get3A_539 = arith.constant 0 : index
      %get3A_540 = tpu.vector_load %arg18[%get3A_538, %get3A_539] {strides = array<i32>} : memref<24x16xf32, #tpu.memory_space<vmem>>, vector<1x16xf32>,
      %get3A_541 = vector.shape_cast %get3A_540 : vector<1x16xf32> to vector<16xf32>
      %add3A_542 = arith.addf %get3A_536, %get3A_541 : vector<16xf32>
      %get3A_543 = arith.constant 17 : i32
      %get3A_544 = arith.index_cast %get3A_543 : i32 to index
      %get3A_545 = arith.constant 0 : index
      %get3A_546 = tpu.vector_load %arg18[%get3A_544, %get3A_545] {strides = array<i32>} : memref<24x16xf32, #tpu.memory_space<vmem>>, vector<1x16xf32>,
      %get3A_547 = vector.shape_cast %get3A_546 : vector<1x16xf32> to vector<16xf32>
      %get3A_548 = arith.constant 23 : i32
      %get3A_549 = arith.index_cast %get3A_548 : i32 to index
      %get3A_550 = arith.constant 0 : index
      %get3A_551 = tpu.vector_load %arg18[%get3A_549, %get3A_550] {strides = array<i32>} : memref<24x16xf32, #tpu.memory_space<vmem>>, vector<1x16xf32>,
      %get3A_552 = vector.shape_cast %get3A_551 : vector<1x16xf32> to vector<16xf32>
      %add3A_553 = arith.addf %get3A_547, %get3A_552 : vector<16xf32>
      %select_n3A_554 = arith.select %eq3A_395, %add3A_520, %add3A_542 : vector<16xi1>, vector<16xf32>
      %swap3A_555 = arith.constant 2 : i32
      %swap3A_556 = arith.index_cast %swap3A_555 : i32 to index
      %swap3A_557 = arith.constant 0 : index
      %swap3A_558 = tpu.vector_load %arg19[%swap3A_556, %swap3A_557] {strides = array<i32>} : memref<3x16xf32, #tpu.memory_space<vmem>>, vector<1x16xf32>,
      %swap3A_559 = vector.shape_cast %swap3A_558 : vector<1x16xf32> to vector<16xf32>
      %swap3A_560 = vector.shape_cast %select_n3A_554 : vector<16xf32> to vector<1x16xf32>
      tpu.vector_store %arg19[%swap3A_556, %swap3A_557], %swap3A_560 {strides = array<i32>} : memref<3x16xf32, #tpu.memory_space<vmem>>, vector<1x16xf32>,
      %select_n3A_561 = arith.select %eq3A_395, %add3A_531, %add3A_553 : vector<16xi1>, vector<16xf32>
      %swap3A_562 = arith.constant 2 : i32
      %swap3A_563 = arith.index_cast %swap3A_562 : i32 to index
      %swap3A_564 = arith.constant 0 : index
      %swap3A_565 = tpu.vector_load %arg20[%swap3A_563, %swap3A_564] {strides = array<i32>} : memref<3x16xf32, #tpu.memory_space<vmem>>, vector<1x16xf32>,
      %swap3A_566 = vector.shape_cast %swap3A_565 : vector<1x16xf32> to vector<16xf32>
      %swap3A_567 = vector.shape_cast %select_n3A_561 : vector<16xf32> to vector<1x16xf32>
      tpu.vector_store %arg20[%swap3A_563, %swap3A_564], %swap3A_567 {strides = array<i32>} : memref<3x16xf32, #tpu.memory_space<vmem>>, vector<1x16xf32>,
      "tpu.region"() ({
        %run_scoped3A = tpu.sem_alloc : memref<!tpu.dma_semaphore, #tpu.memory_space<semaphore_mem>>
        tpu.enqueue_dma source(%arg19 : memref<3x16xf32, #tpu.memory_space<vmem>>) target(%arg13 : memref<3x16xf32, #tpu.memory_space<hbm>>) target_semaphore(%run_scoped3A : memref<!tpu.dma_semaphore, #tpu.memory_space<semaphore_mem>>)
        tpu.wait_dma2 semaphore(%run_scoped3A : memref<!tpu.dma_semaphore, #tpu.memory_space<semaphore_mem>>) src(%arg19 : memref<3x16xf32, #tpu.memory_space<vmem>>) dst(%arg13 : memref<3x16xf32, #tpu.memory_space<hbm>>)
        tpu.yield
      }) : () -> ()
      "tpu.region"() ({
        %run_scoped3A = tpu.sem_alloc : memref<!tpu.dma_semaphore, #tpu.memory_space<semaphore_mem>>
        tpu.enqueue_dma source(%arg20 : memref<3x16xf32, #tpu.memory_space<vmem>>) target(%arg14 : memref<3x16xf32, #tpu.memory_space<hbm>>) target_semaphore(%run_scoped3A : memref<!tpu.dma_semaphore, #tpu.memory_space<semaphore_mem>>)
        tpu.wait_dma2 semaphore(%run_scoped3A : memref<!tpu.dma_semaphore, #tpu.memory_space<semaphore_mem>>) src(%arg20 : memref<3x16xf32, #tpu.memory_space<vmem>>) dst(%arg14 : memref<3x16xf32, #tpu.memory_space<hbm>>)
        tpu.yield
      }) : () -> ()
    } else {
    }
    return
  }
}

module attributes {stable_mosaic.version = 14 : i64} {
  func.func @_affine_body(%arg0: i32, %arg1: memref<1x3x512x512xf32, #tpu.memory_space<vmem>>, %arg2: memref<3x16xf32, #tpu.memory_space<smem>>, %arg3: memref<3x16xf32, #tpu.memory_space<smem>>, %arg4: memref<1x3x512x512xf32, #tpu.memory_space<vmem>>) attributes {dimension_semantics = [#tpu.dimension_semantics<parallel>], iteration_bounds = array<i64: 16>, scalar_prefetch = 0 : i64, scratch_operands = 0 : i64, tpu.core_type = #tpu.core_type<tc>, window_params = [{transform_indices = @transform_0, window_bounds = array<i64: 1, 3, 512, 512>}, {transform_indices = @transform_1, window_bounds = array<i64: 3, 16>}, {transform_indices = @transform_2, window_bounds = array<i64: 3, 16>}, {transform_indices = @transform_3, window_bounds = array<i64: 1, 3, 512, 512>}]} {
    %get3A = arith.constant 0 : index
    %get3A_0 = arith.constant 0 : index
    %get3A_1 = arith.constant 0 : index
    %get3A_2 = arith.constant 0 : index
    %get3A_3 = vector.load %arg1[%get3A, %get3A_0, %get3A_1, %get3A_2] : memref<1x3x512x512xf32, #tpu.memory_space<vmem>>, vector<1x1x512x512xf32>
    %get3A_4 = vector.shape_cast %get3A_3 : vector<1x1x512x512xf32> to vector<512x512xf32>
    %get3A_5 = arith.constant 0 : index
    %get3A_6 = arith.index_cast %arg0 : i32 to index
    %get3A_7 = memref.load %arg2[%get3A_5, %get3A_6] : memref<3x16xf32, #tpu.memory_space<smem>>
    %mul3A = vector.broadcast %get3A_7 : f32 to vector<512x512xf32>
    %mul3A_8 = arith.mulf %get3A_4, %mul3A : vector<512x512xf32>
    %get3A_9 = arith.constant 0 : index
    %get3A_10 = arith.index_cast %arg0 : i32 to index
    %get3A_11 = memref.load %arg3[%get3A_9, %get3A_10] : memref<3x16xf32, #tpu.memory_space<smem>>
    %add3A = vector.broadcast %get3A_11 : f32 to vector<512x512xf32>
    %add3A_12 = arith.addf %mul3A_8, %add3A : vector<512x512xf32>
    %swap3A = arith.constant 0 : index
    %swap3A_13 = arith.constant 0 : index
    %swap3A_14 = arith.constant 0 : index
    %swap3A_15 = arith.constant 0 : index
    %swap3A_16 = vector.load %arg4[%swap3A, %swap3A_13, %swap3A_14, %swap3A_15] : memref<1x3x512x512xf32, #tpu.memory_space<vmem>>, vector<1x1x512x512xf32>
    %swap3A_17 = vector.shape_cast %swap3A_16 : vector<1x1x512x512xf32> to vector<512x512xf32>
    %swap3A_18 = vector.shape_cast %add3A_12 : vector<512x512xf32> to vector<1x1x512x512xf32>
    tpu.vector_store %arg4[%swap3A, %swap3A_13, %swap3A_14, %swap3A_15], %swap3A_18 {strides = array<i32>} : memref<1x3x512x512xf32, #tpu.memory_space<vmem>>, vector<1x1x512x512xf32>,
    %get3A_19 = arith.constant 0 : index
    %get3A_20 = arith.constant 1 : index
    %get3A_21 = arith.constant 0 : index
    %get3A_22 = arith.constant 0 : index
    %get3A_23 = vector.load %arg1[%get3A_19, %get3A_20, %get3A_21, %get3A_22] : memref<1x3x512x512xf32, #tpu.memory_space<vmem>>, vector<1x1x512x512xf32>
    %get3A_24 = vector.shape_cast %get3A_23 : vector<1x1x512x512xf32> to vector<512x512xf32>
    %get3A_25 = arith.constant 1 : index
    %get3A_26 = arith.index_cast %arg0 : i32 to index
    %get3A_27 = memref.load %arg2[%get3A_25, %get3A_26] : memref<3x16xf32, #tpu.memory_space<smem>>
    %mul3A_28 = vector.broadcast %get3A_27 : f32 to vector<512x512xf32>
    %mul3A_29 = arith.mulf %get3A_24, %mul3A_28 : vector<512x512xf32>
    %get3A_30 = arith.constant 1 : index
    %get3A_31 = arith.index_cast %arg0 : i32 to index
    %get3A_32 = memref.load %arg3[%get3A_30, %get3A_31] : memref<3x16xf32, #tpu.memory_space<smem>>
    %add3A_33 = vector.broadcast %get3A_32 : f32 to vector<512x512xf32>
    %add3A_34 = arith.addf %mul3A_29, %add3A_33 : vector<512x512xf32>
    %swap3A_35 = arith.constant 0 : index
    %swap3A_36 = arith.constant 1 : index
    %swap3A_37 = arith.constant 0 : index
    %swap3A_38 = arith.constant 0 : index
    %swap3A_39 = vector.load %arg4[%swap3A_35, %swap3A_36, %swap3A_37, %swap3A_38] : memref<1x3x512x512xf32, #tpu.memory_space<vmem>>, vector<1x1x512x512xf32>
    %swap3A_40 = vector.shape_cast %swap3A_39 : vector<1x1x512x512xf32> to vector<512x512xf32>
    %swap3A_41 = vector.shape_cast %add3A_34 : vector<512x512xf32> to vector<1x1x512x512xf32>
    tpu.vector_store %arg4[%swap3A_35, %swap3A_36, %swap3A_37, %swap3A_38], %swap3A_41 {strides = array<i32>} : memref<1x3x512x512xf32, #tpu.memory_space<vmem>>, vector<1x1x512x512xf32>,
    %get3A_42 = arith.constant 0 : index
    %get3A_43 = arith.constant 2 : index
    %get3A_44 = arith.constant 0 : index
    %get3A_45 = arith.constant 0 : index
    %get3A_46 = vector.load %arg1[%get3A_42, %get3A_43, %get3A_44, %get3A_45] : memref<1x3x512x512xf32, #tpu.memory_space<vmem>>, vector<1x1x512x512xf32>
    %get3A_47 = vector.shape_cast %get3A_46 : vector<1x1x512x512xf32> to vector<512x512xf32>
    %get3A_48 = arith.constant 2 : index
    %get3A_49 = arith.index_cast %arg0 : i32 to index
    %get3A_50 = memref.load %arg2[%get3A_48, %get3A_49] : memref<3x16xf32, #tpu.memory_space<smem>>
    %mul3A_51 = vector.broadcast %get3A_50 : f32 to vector<512x512xf32>
    %mul3A_52 = arith.mulf %get3A_47, %mul3A_51 : vector<512x512xf32>
    %get3A_53 = arith.constant 2 : index
    %get3A_54 = arith.index_cast %arg0 : i32 to index
    %get3A_55 = memref.load %arg3[%get3A_53, %get3A_54] : memref<3x16xf32, #tpu.memory_space<smem>>
    %add3A_56 = vector.broadcast %get3A_55 : f32 to vector<512x512xf32>
    %add3A_57 = arith.addf %mul3A_52, %add3A_56 : vector<512x512xf32>
    %swap3A_58 = arith.constant 0 : index
    %swap3A_59 = arith.constant 2 : index
    %swap3A_60 = arith.constant 0 : index
    %swap3A_61 = arith.constant 0 : index
    %swap3A_62 = vector.load %arg4[%swap3A_58, %swap3A_59, %swap3A_60, %swap3A_61] : memref<1x3x512x512xf32, #tpu.memory_space<vmem>>, vector<1x1x512x512xf32>
    %swap3A_63 = vector.shape_cast %swap3A_62 : vector<1x1x512x512xf32> to vector<512x512xf32>
    %swap3A_64 = vector.shape_cast %add3A_57 : vector<512x512xf32> to vector<1x1x512x512xf32>
    tpu.vector_store %arg4[%swap3A_58, %swap3A_59, %swap3A_60, %swap3A_61], %swap3A_64 {strides = array<i32>} : memref<1x3x512x512xf32, #tpu.memory_space<vmem>>, vector<1x1x512x512xf32>,
    return
  }
  func.func @transform_0(%arg0: i32) -> (i32, i32, i32, i32) {
    %c0_i32 = arith.constant 0 : i32
    %c0_i32_0 = arith.constant 0 : i32
    %c0_i32_1 = arith.constant 0 : i32
    %c0_i32_2 = arith.constant 0 : i32
    return %arg0, %c0_i32, %c0_i32_0, %c0_i32_1 : i32, i32, i32, i32
  }
  func.func @transform_1(%arg0: i32) -> (i32, i32) {
    %c0_i32 = arith.constant 0 : i32
    %c0_i32_0 = arith.constant 0 : i32
    %c0_i32_1 = arith.constant 0 : i32
    return %c0_i32, %c0_i32_0 : i32, i32
  }
  func.func @transform_2(%arg0: i32) -> (i32, i32) {
    %c0_i32 = arith.constant 0 : i32
    %c0_i32_0 = arith.constant 0 : i32
    %c0_i32_1 = arith.constant 0 : i32
    return %c0_i32, %c0_i32_0 : i32, i32
  }
  func.func @transform_3(%arg0: i32) -> (i32, i32, i32, i32) {
    %c0_i32 = arith.constant 0 : i32
    %c0_i32_0 = arith.constant 0 : i32
    %c0_i32_1 = arith.constant 0 : i32
    %c0_i32_2 = arith.constant 0 : i32
    return %arg0, %c0_i32, %c0_i32_0, %c0_i32_1 : i32, i32, i32, i32
  }
}

</mosaic_0001>

<sc_bundles>
// kernel: kernel.4.cloned.1.call-start
scs
__scs_entry_jumppad:
0x0: {  	(pc) =	sbr.rel $0x88, $3  }
0x1: {  	(tag) =	ssettag $0x0;
	lr =	simm.s32 $0x1  }
0x2: {  	[smem:$0x3F95] =	sst lr;
	_ =	strace $0xD0000000  }
0x3: {  	_ = 	snop  }
0x4: {  	_ = 	snop  }
0x5: {  	_ = 	snop  }
0x6: {  	_ = 	snop  }
0x7: {  	_ = 	snop  }
__scs_overlays_trampoline_lowered:
0x8: {  	[smem:$0x3FA4] =	sst s0  }
0x9: {  	[smem:$0x3FA5] =	sst s1  }
0xa: {  	[smem:$0x3FA6] =	sst s2  }
0xb: {  	[smem:$0x3FA7] =	sst s3  }
0xc: {  	[smem:$0x3FA8] =	sst s4  }
0xd: {  	[smem:$0x3FA9] =	sst s5  }
0xe: {  	[smem:$0x3FAA] =	sst s6  }
0xf: {  	[smem:$0x3FAB] =	sst s7  }
0x10: {  	[smem:$0x3FAC] =	sst s8  }
0x11: {  	[smem:$0x3FAD] =	sst s9;
	s0 =	simm.s32 @!p0 $0x0  }
0x12: {  	s1 =	sld [smem:$0x3F93];
	s0 =	simm.s32 @p0 $0x1  }
0x13: {  	[smem:$0x3FAE] =	sst s0;
	s0 =	simm.s32 @!p1 $0x0  }
0x14: {  	s2 =	sld [smem:$0x3F92];
	s0 =	simm.s32 @p1 $0x1  }
0x15: {  	[smem:$0x3FAF] =	sst s0;
	s0 =	simm.s32 @!p2 $0x0  }
0x16: {  	s3 =	sld [smem:$0x3FDB];
	s0 =	simm.s32 @p2 $0x1  }
0x17: {  	s4 =	simm.s32 $0x1BF5;
	[smem:$0x3FB1] =	sst s0  }
0x18: {  	s0 =	sld [smem:$0x3F94];
	_ =	swait.ge [sflag:s4], $0x0  }
0x19: {  	s7 =	sld [smem:$0x3F95]  }
0x1a: {  	s8 =	sadd.s32 $0xFFFFE003, lr  }
0x1b: {  	s9 =	sadd.s32 $0xFFFFFEF7, lr;
	s5 =	simm.s32 $0xFFFFFFFF;
	p2 =	slt.u32 s8, $0xFFFFF086  }
0x1c: {  	p1 =	slt.u32 s9, $0xF7A;
	s5 =	simm.s32 @!p2 $0x0  }
0x1d: {  	s5 =	simm.s32 @p1 $0x1;
	p0 =	seq.s32 s7, s2  }
0x1e: {  	s7 =	smul.u32 @!p0 $0xF7A, s2;
	p2 =	seq.s32 @!p0 s5, $0x0  }
0x1f: {  	s9 =	smul.u32 $0xF7A, s1;
	s8 =	simm.s32 @!p0 $0x1BF5;
	p2 =	por !p2, p0  }
0x20: {  	[sflag:s8] =	ssyncset.s32 @!p0 $0xFFFFF086;
	s6 =	sadd.s32 @!p0 s3, s7;
	s7 =	simm.s32 @!p0 $0x108  }
0x21: {  	s3 =	sadd.s32 s3, s9;
	s6 =	sadd.s32 @!p0 $0x88, s6;
	s7 =	simm.s32 @p2 $0x1082  }
0x22: {  	[simem:s7], [sflag:s8] =	dma.local @!p0 [hbm:s6], $0xF7A  }
0x23: {  	s9 =	sor.u32 $0xD0000000, s2;
	s6 =	simm.s32 $0x108;
	_ =	swait.ge @!p0 [sflag:s8], $0x0  }
0x24: {  	s3 =	sadd.s32 $0x88, s3;
	s6 =	simm.s32 @!p1 $0x1082;
	[sflag:s4] =	ssyncset.s32 $0xFFFFF086  }
0x25: {  	[simem:s6], [sflag:s4] =	dma.local [hbm:s3], $0xF7A  }
0x26: {  	[smem:$0x3F95] =	sst s1;
	(tag) =	ssettag s2;
	_ =	strace s9  }
0x27: {  	s1 =	sld [smem:$0x3FA5]  }
0x28: {  	s2 =	sld [smem:$0x3FA6]  }
0x29: {  	s4 =	sld [smem:$0x3FA8]  }
0x2a: {  	p0 =	seq.s32 s5, $0x0;
	s5 =	sld [smem:$0x3FA9]  }
0x2b: {  	s6 =	sld [smem:$0x3FAA]  }
0x2c: {  	s7 =	sld [smem:$0x3FAB]  }
0x2d: {  	s3 =	simm.s32 $0x108;
	s8 =	sld [smem:$0x3FAC]  }
0x2e: {  	s3 =	simm.s32 @!p0 $0x1082;
	s9 =	sld [smem:$0x3FAD]  }
0x2f: {  	lr =	sadd.s32 s0, s3;
	s0 =	sld [smem:$0x3FA4]  }
0x30: {  	s3 =	sld [smem:$0x3FA7]  }
0x31: {  	[smem:$0x3FB0] =	sst s10  }
0x32: {  	s10 =	sld [smem:$0x3FAE];
	_ =	sdelay $0x3  }
0x33: {  	p0 =	seq.s32 s10, $0x1;
	s10 =	sld [smem:$0x3FB0];
	_ =	sdelay $0x3  }
0x34: {  	[smem:$0x3FB0] =	sst s10  }
0x35: {  	s10 =	sld [smem:$0x3FAF];
	_ =	sdelay $0x3  }
0x36: {  	p1 =	seq.s32 s10, $0x1;
	s10 =	sld [smem:$0x3FB0];
	_ =	sdelay $0x3  }
0x37: {  	[smem:$0x3FB0] =	sst s10  }
0x38: {  	s10 =	sld [smem:$0x3FB1]  }
0x39: {  	_ = 	snop;
	(pc) =	sbr.ind lr, $3  }
0x3a: {  	_ = 	snop  }
0x3b: {  	_ = 	snop  }
0x3c: {  	p2 =	seq.s32 s10, $0x1;
	s10 =	sld [smem:$0x3FB0]  }
0x3d: {  	_ =	shalt  }
0x3e: {  	_ =	shalt  }
0x3f: {  	_ =	shalt  }
0x40: {  	_ =	shalt  }
0x41: {  	_ =	shalt  }
0x42: {  	_ =	shalt  }
0x43: {  	_ =	shalt  }
0x44: {  	_ =	shalt  }
0x45: {  	_ =	shalt  }
0x46: {  	_ =	shalt  }
0x47: {  	_ =	shalt  }
0x48: {  	_ =	shalt  }
0x49: {  	_ =	shalt  }
0x4a: {  	_ =	shalt  }
0x4b: {  	_ =	shalt  }
0x4c: {  	_ =	shalt  }
0x4d: {  	_ =	shalt  }
0x4e: {  	_ =	shalt  }
0x4f: {  	_ =	shalt  }
0x50: {  	_ =	shalt  }
0x51: {  	_ =	shalt  }
0x52: {  	_ =	shalt  }
0x53: {  	_ =	shalt  }
0x54: {  	_ =	shalt  }
0x55: {  	_ =	shalt  }
0x56: {  	_ =	shalt  }
0x57: {  	_ =	shalt  }
0x58: {  	_ =	shalt  }
0x59: {  	_ =	shalt  }
0x5a: {  	_ =	shalt  }
0x5b: {  	_ =	shalt  }
0x5c: {  	_ =	shalt  }
0x5d: {  	_ =	shalt  }
0x5e: {  	_ =	shalt  }
0x5f: {  	_ =	shalt  }
0x60: {  	_ =	shalt  }
0x61: {  	_ =	shalt  }
0x62: {  	_ =	shalt  }
0x63: {  	_ =	shalt  }
0x64: {  	_ =	shalt  }
0x65: {  	_ =	shalt  }
0x66: {  	_ =	shalt  }
0x67: {  	_ =	shalt  }
0x68: {  	_ =	shalt  }
0x69: {  	_ =	shalt  }
0x6a: {  	_ =	shalt  }
0x6b: {  	_ =	shalt  }
0x6c: {  	_ =	shalt  }
0x6d: {  	_ =	shalt  }
0x6e: {  	_ =	shalt  }
0x6f: {  	_ =	shalt  }
0x70: {  	_ =	shalt  }
0x71: {  	_ =	shalt  }
0x72: {  	_ =	shalt  }
0x73: {  	_ =	shalt  }
0x74: {  	_ =	shalt  }
0x75: {  	_ =	shalt  }
0x76: {  	_ =	shalt  }
0x77: {  	_ =	shalt  }
0x78: {  	_ =	shalt  }
0x79: {  	_ =	shalt  }
0x7a: {  	_ =	shalt  }
0x7b: {  	_ =	shalt  }
0x7c: {  	_ =	shalt  }
0x7d: {  	_ =	shalt  }
0x7e: {  	_ =	shalt  }
0x7f: {  	_ =	shalt  }
0x80: {  	_ =	shalt  }
0x81: {  	_ =	shalt  }
0x82: {  	_ =	shalt  }
0x83: {  	_ =	shalt  }
0x84: {  	_ =	shalt  }
0x85: {  	_ =	shalt  }
0x86: {  	_ =	shalt  }
0x87: {  	_ =	shalt  }
.Lfunc_end0:
.L_simem_size_0:
called_computation_lowered:
.L_overlay_start_0:
0x88: {  	s2 =	sld [smem:$0x3FD9]  }
0x89: {  	s3 =	sld [smem:$0x3FFE];
	_ =	sdelay $0x1  }
0x8a: {  	s1 =	srdreg.scid  }
0x8b: {  	s0 =	sand.u32 $0x1, s1  }
0x8c: {  	s17 =	sshll.u32 s0, $0xA;
	s2 =	sadd.s32 s3, s2  }
0x8d: {  	s2 =	sadd.s32 s2, s17  }
0x8e: {  	[smem:$0x3FBC] =	sst s2  }
0x8f: {  	_ = 	snop  }
0x90: {  	s2 =	sld [smem:$0x3FC8]  }
0x91: {  	s18 =	sld [smem:$0x3FC7]  }
0x92: {  	s4 =	sld [smem:$0x3FC6]  }
0x93: {  	s5 =	sld [smem:$0x3FD0];
	(tm) =	ssettm $0x1  }
0x94: {  	s6 =	sld [smem:$0x3FFB];
	_ =	sdelay $0x3  }
0x95: {  	_ =	strace s6  }
0x96: {  	s6 =	sld [smem:$0x3FFC];
	_ =	sdelay $0x3  }
0x97: {  	_ =	strace s6  }
0x98: {  	s6 =	sld [smem:$0x3FFD];
	_ =	sdelay $0x3  }
0x99: {  	_ =	strace s6  }
0x9a: {  	_ =	strace $0x8FFFFFFF  }
0x9b: {  	s19 =	sld [smem:$0x3FDB];
	_ =	sdelay $0x1  }
0x9c: {  	s7 =	simm.s32 $_scs_section_size  }
0x9d: {  	s8 =	simm.s32 $_size__tile_overlayer_lowered;
	s9 =	simm.s32 $_tile_overlayer_lowered  }
0x9e: {  	s22 =	simm.s32 $0x1BFF;
	s21 =	sshll.u32 s9, $0x1;
	s6 =	sadd.s32 s7, s19  }
0x9f: {  	s10 =	simm.s32 $0x0;
	s20 =	sshll.u32 s8, $0x1;
	s8 =	sadd.s32 s21, s6  }
0xa0: {  	[timem:s10], [sflag:s22] =	dma.local [hbm:s8], s20  }
0xa1: {  	_ =	swait.ge [sflag:s22], s20  }
0xa2: {  	s7 =	ssub.s32 $0x0, s20;
	[sflag:s22] =	ssyncset.done $0x0  }
0xa3: {  	[sflag:s22] =	ssyncadd.s32 s7;
	_ =	sdelay $0x1  }
0xa4: {  	s23 =	simm.s32 $0x1B8B  }
0xa5: {  	_ =	swait.ge [sflag:s23], $0x1  }
0xa6: {  	[sflag:s23] =	ssyncset.done $0x0  }
0xa7: {  	s25 =	simm.s32 $0x1B8E;
	s24 =	sld [smem:$0x3FFE];
	[sflag:s23] =	ssyncadd.s32 $0xFFFFFFFF  }
0xa8: {  	s26 =	simm.s32 $execute0_lowered;
	[smem:$0x3FD2] =	sst s25  }
0xa9: {  	s8 =	sshll.u32 s26, $0x1;
	_ =	strace $0x80000046;
	[dreg:$0x1] =	wrdreg $0xFFFFFFFF  }
0xaa: {  	s28 =	simm.s32 $_size_execute0_lowered;
	s6 =	sadd.s32 s6, s8;
	[dreg:$0x0] =	wrdreg $0x0  }
0xab: {  	s8 =	sshll.u32 s28, $0x1;
	[dreg:$0x2] =	wrdreg s6  }
0xac: {  	[dreg:$0x3] =	wrdreg s8  }
0xad: {  	[dreg:$0x4] =	wrdreg $0xC0  }
0xae: {  	_ =	task [dreg:s10], $0x5FFFF  }
0xaf: {  	[dreg:$0x1] =	wrdreg $0xFFFFFFFF  }
0xb0: {  	[dreg:$0x0] =	wrdreg $0x60  }
0xb1: {  	[dreg:$0x2] =	wrdreg s2  }
0xb2: {  	[dreg:$0x3] =	wrdreg s18  }
0xb3: {  	[dreg:$0x4] =	wrdreg s4  }
0xb4: {  	[dreg:$0x5] =	wrdreg s24  }
0xb5: {  	[dreg:$0x6] =	wrdreg s5  }
0xb6: {  	[dreg:$0x7] =	wrdreg $0x9  }
0xb7: {  	_ =	task.clear_ibuf [dreg:s10], $0x8FFFF;
	_ =	strace $0x90000046  }
0xb8: {  	s29 =	simm.s32 $0x9;
	_ =	strace $0x80000048  }
0xb9: {  	_ =	swait.ge [sflag:s29], $0x1  }
0xba: {  	[sflag:s29] =	ssyncadd.s32 $0xFFFFFFFF  }
0xbb: {  	_ =	strace $0x90000048  }
0xbc: {  	_ =	sfence  }
0xbd: {  	s30 =	sld [smem:$0x0];
	_ =	sdelay $0x2  }
0xbe: {  	s31 =	sshll.u32 s1, $0xD;
	s1 =	sshrl.u32 s1, $0x2  }
0xbf: {  	s3 =	sand.u32 $0x4000, s31;
	s1 =	sadd.s32 s1, s30  }
0xc0: {  	s0 =	sor.u32 s3, s0;
	s1 =	sshll.u32 s1, $0x11  }
0xc1: {  	s0 =	sor.u32 s1, s0  }
0xc2: {  	s0 =	sadd.s32 $0x8F2B, s0  }
0xc3: {  	[sflag:s0] =	ssyncadd.remote.s32 $0x1  }
0xc4: {  	_ =	sfence.sel $0xFFFF  }
0xc5: {  	[dreg:$0x0] =	wrdreg $0xFFFFFFFF;
	(pc) =	sbr.abs _section_cstart, $3  }
0xc6: {  	[dreg:$0x1] =	wrdreg $0xFFFFFFFF  }
0xc7: {  	_ =	task.clear_ibuf [dreg:s10], $0x2FFFF;
	_ =	strace $0x9FFFFFFF  }
0xc8: {  	(tm) =	ssettm $0x7FFFFFFF  }
0xc9: {  	_ =	shalt  }
tec
execute0_lowered:
.L_overlay_start_1:
0x0: {  	(tag) =	ssettag $0x1  }
0x1: {  	s0 =	rddreg [dreg:$0x0];
	s31 =	srdreg.scid  }
0x2: {  	[dreg:$0x6] =	wrdreg s0;
	s1 =	sand.u32 $0x1, s31;
	s0 =	stileid.u32  }
0x3: {  	s29 =	rddreg [dreg:$0x1];
	s2 =	sshll.u32 s0, $0x1;
	s3 =	ssub.s32 $0x0, s1  }
0x4: {  	s30 =	rddreg [dreg:$0x2];
	p0 =	sne.s32 s2, s3  }
.Ltmp0:
0x5: {  	s24 =	rddreg [dreg:$0x3];
	(pc) =	sbr.rel @p0 .LBB2_4-.Ltmp0, $4  }
0x6: {  	s4 =	rddreg [dreg:$0x4]  }
0x7: {  	[dreg:$0x7] =	wrdreg s29  }
0x8: {  	[dreg:$0x8] =	wrdreg s30  }
0x9: {  	s5 =	rddreg [dreg:$0x5];
	_ =	strace $0x80000047  }
0xa: {  	s2 =	sadd.s32 $0x3A00, s24;
	s5 =	rddreg [dreg:$0x6]  }
0xb: {  	s6 =	sadd.s32 $0x3C00, s24;
	[dreg:$0x9] =	wrdreg s2  }
0xc: {  	s7 =	simm.s32 $0x80;
	[dreg:$0xa] =	wrdreg s6  }
0xd: {  	s8 =	simm.s32 $0x100;
	[dreg:$0xb] =	wrdreg s7  }
0xe: {  	s9 =	simm.s32 $0x180;
	[dreg:$0xc] =	wrdreg s8  }
0xf: {  	s10 =	simm.s32 $0x200;
	[dreg:$0xd] =	wrdreg s9  }
0x10: {  	s11 =	simm.s32 $0x280;
	[dreg:$0xe] =	wrdreg s10  }
0x11: {  	s12 =	simm.s32 $0x300;
	[dreg:$0xf] =	wrdreg s11  }
0x12: {  	s13 =	simm.s32 $0x380;
	[dreg:$0x10] =	wrdreg s12  }
0x13: {  	s14 =	simm.s32 $0x400;
	[dreg:$0x11] =	wrdreg s13  }
0x14: {  	s15 =	simm.s32 $0x480;
	[dreg:$0x12] =	wrdreg s14  }
0x15: {  	s3 =	simm.s32 $0x0;
	[dreg:$0x13] =	wrdreg s15;
	s6 =	simm.s32 $0x500  }
0x16: {  	[tilespmem:s3], [sflag:$0x2] =	stream.linear.gather [hbm4b:s5+s3], $0x80, $0x38;
	[tilespmem:$0x1180] =	vst v63  }
0x17: {  	s2 =	simm.s32 $0x2;
	[dreg:$0x14] =	wrdreg s6  }
0x18: {  	_ =	swait.ge [sflag:s2], $0x80  }
0x19: {  	s16 =	rddreg [dreg:$0x7];
	[sflag:s2] =	ssyncset.done $0x0  }
0x1a: {  	s17 =	rddreg [dreg:$0xb];
	[sflag:s2] =	ssyncadd.s32 $0xFFFFFF80  }
0x1b: {  	[tilespmem:s17], [sflag:$0x2] =	stream.linear.gather [hbm4b:s16+s3], $0x80, $0x38;
	[tilespmem:$0x1180] =	vst v63  }
0x1c: {  	_ =	swait.ge [sflag:s2], $0x80  }
0x1d: {  	s18 =	rddreg [dreg:$0x8];
	[sflag:s2] =	ssyncset.done $0x0  }
0x1e: {  	s19 =	rddreg [dreg:$0xc];
	[sflag:s2] =	ssyncadd.s32 $0xFFFFFF80  }
0x1f: {  	[tilespmem:s19], [sflag:$0x2] =	stream.linear.gather [hbm4b:s18+s3], $0x80, $0x38;
	[tilespmem:$0x1180] =	vst v63  }
0x20: {  	_ =	swait.ge [sflag:s2], $0x80  }
0x21: {  	[sflag:s2] =	ssyncset.done $0x0  }
0x22: {  	[sflag:s2] =	ssyncadd.s32 $0xFFFFFF80  }
0x23: {  	v0 =	vld [tilespmem:$0x0];
	_ =	sdelay $0x4  }
0x24: {  	v0 =	vmul.u32 $0x3, v0;
	_ =	sdelay $0x2  }
0x25: {  	v1 =	vadd.s32 $0x1, v0;
	_ =	sdelay $0x1  }
0x26: {  	vm0 =	vmmov $0xffff;
	s5 =	sadd.s32 $0x1600, s24;
	s20 =	rddreg [dreg:$0xd];
	v3 =	vadd.s32 $0x2, v0  }
0x27: {  	v2 =	vld [tilespmem:$0x80];
	[tilespmem:s20], [sflag:$0x1] =	stream.indirect_vreg.gather [hbm4b:s5+s3], $0x1, v0, vm0, $0xb8  }
0x28: {  	s7 =	rddreg [dreg:$0xe]  }
0x29: {  	[tilespmem:s7], [sflag:$0x1] =	stream.indirect_vreg.gather [hbm4b:s5+s3], $0x1, v1, vm0, $0xb8;
	[tilespmem:$0x1180] =	vst v63  }
0x2a: {  	s21 =	rddreg [dreg:$0xf]  }
0x2b: {  	[tilespmem:s21], [sflag:$0x1] =	stream.indirect_vreg.gather [hbm4b:s5+s3], $0x1, v3, vm0, $0xb8;
	[tilespmem:$0x1180] =	vst v63  }
0x2c: {  	s6 =	sadd.s32 $0x1800, s24;
	s22 =	rddreg [dreg:$0x10]  }
0x2d: {  	v2 =	vmul.u32 $0x3, v2;
	[tilespmem:s22], [sflag:$0x1] =	stream.indirect_vreg.gather [hbm4b:s6+s3], $0x1, v0, vm0, $0xb8;
	[tilespmem:$0x1180] =	vst v63  }
0x2e: {  	s8 =	rddreg [dreg:$0x11]  }
0x2f: {  	[tilespmem:s8], [sflag:$0x1] =	stream.indirect_vreg.gather [hbm4b:s6+s3], $0x1, v1, vm0, $0xb8;
	[tilespmem:$0x1180] =	vst v63  }
0x30: {  	s23 =	rddreg [dreg:$0x12];
	v4 =	vadd.s32 $0x1, v2  }
0x31: {  	[tilespmem:s23], [sflag:$0x1] =	stream.indirect_vreg.gather [hbm4b:s6+s3], $0x1, v3, vm0, $0xb8;
	[tilespmem:$0x1180] =	vst v63  }
0x32: {  	s25 =	rddreg [dreg:$0x13];
	v5 =	vadd.s32 $0x2, v2  }
0x33: {  	[tilespmem:s25], [sflag:$0x1] =	stream.indirect_vreg.gather [hbm4b:s4+s3], $0x1, v2, vm0, $0xb8;
	[tilespmem:$0x1180] =	vst v63  }
0x34: {  	s26 =	rddreg [dreg:$0x14]  }
0x35: {  	[tilespmem:s26], [sflag:$0x1] =	stream.indirect_vreg.gather [hbm4b:s4+s3], $0x1, v4, vm0, $0xb8;
	[tilespmem:$0x1180] =	vst v63  }
0x36: {  	s0 =	simm.s32 $0x580  }
0x37: {  	[tilespmem:s0], [sflag:$0x1] =	stream.indirect_vreg.gather [hbm4b:s4+s3], $0x1, v5, vm0, $0xb8;
	[tilespmem:$0x1180] =	vst v63  }
0x38: {  	s9 =	simm.s32 $0x600;
	s8 =	sadd.s32 $0x2A00, s24  }
0x39: {  	[tilespmem:s9], [sflag:$0x1] =	stream.indirect_vreg.gather [hbm4b:s8+s3], $0x1, v2, vm0, $0xb8;
	[tilespmem:$0x1180] =	vst v63  }
0x3a: {  	s10 =	simm.s32 $0x680  }
0x3b: {  	[tilespmem:s10], [sflag:$0x1] =	stream.indirect_vreg.gather [hbm4b:s8+s3], $0x1, v4, vm0, $0xb8;
	[tilespmem:$0x1180] =	vst v63  }
0x3c: {  	s11 =	simm.s32 $0x700  }
0x3d: {  	[tilespmem:s11], [sflag:$0x1] =	stream.indirect_vreg.gather [hbm4b:s8+s3], $0x1, v5, vm0, $0xb8;
	[tilespmem:$0x1180] =	vst v63  }
0x3e: {  	s12 =	sadd.s32 $0x1200, s24;
	s13 =	simm.s32 $0x780  }
0x3f: {  	[tilespmem:s13], [sflag:$0x1] =	stream.indirect_vreg.gather [hbm4b:s12+s3], $0x1, v0, vm0, $0xb8;
	[tilespmem:$0x1180] =	vst v63  }
0x40: {  	s14 =	simm.s32 $0x800  }
0x41: {  	[tilespmem:s14], [sflag:$0x1] =	stream.indirect_vreg.gather [hbm4b:s12+s3], $0x1, v1, vm0, $0xb8;
	[tilespmem:$0x1180] =	vst v63  }
0x42: {  	s15 =	simm.s32 $0x880  }
0x43: {  	[tilespmem:s15], [sflag:$0x1] =	stream.indirect_vreg.gather [hbm4b:s12+s3], $0x1, v3, vm0, $0xb8;
	[tilespmem:$0x1180] =	vst v63  }
0x44: {  	s16 =	sadd.s32 $0x1400, s24;
	s17 =	simm.s32 $0x900  }
0x45: {  	[tilespmem:s17], [sflag:$0x1] =	stream.indirect_vreg.gather [hbm4b:s16+s3], $0x1, v0, vm0, $0xb8;
	[tilespmem:$0x1180] =	vst v63  }
0x46: {  	s18 =	simm.s32 $0x980  }
0x47: {  	[tilespmem:s18], [sflag:$0x1] =	stream.indirect_vreg.gather [hbm4b:s16+s3], $0x1, v1, vm0, $0xb8;
	[tilespmem:$0x1180] =	vst v63  }
0x48: {  	s19 =	simm.s32 $0xA00  }
0x49: {  	[tilespmem:s19], [sflag:$0x1] =	stream.indirect_vreg.gather [hbm4b:s16+s3], $0x1, v3, vm0, $0xb8;
	[tilespmem:$0x1180] =	vst v63  }
0x4a: {  	s20 =	sadd.s32 $0x1A00, s24;
	s21 =	simm.s32 $0xA80  }
0x4b: {  	[tilespmem:s21], [sflag:$0x1] =	stream.indirect_vreg.gather [hbm4b:s20+s3], $0x1, v2, vm0, $0xb8;
	[tilespmem:$0x1180] =	vst v63  }
0x4c: {  	s22 =	simm.s32 $0xB00  }
0x4d: {  	[tilespmem:s22], [sflag:$0x1] =	stream.indirect_vreg.gather [hbm4b:s20+s3], $0x1, v4, vm0, $0xb8;
	[tilespmem:$0x1180] =	vst v63  }
0x4e: {  	s23 =	simm.s32 $0xB80  }
0x4f: {  	[tilespmem:s23], [sflag:$0x1] =	stream.indirect_vreg.gather [hbm4b:s20+s3], $0x1, v5, vm0, $0xb8;
	[tilespmem:$0x1180] =	vst v63  }
0x50: {  	s24 =	sadd.s32 $0x2200, s24;
	s25 =	simm.s32 $0xC00  }
0x51: {  	[tilespmem:s25], [sflag:$0x1] =	stream.indirect_vreg.gather [hbm4b:s24+s3], $0x1, v2, vm0, $0xb8;
	[tilespmem:$0x1180] =	vst v63  }
0x52: {  	s26 =	simm.s32 $0xC80  }
0x53: {  	[tilespmem:s26], [sflag:$0x1] =	stream.indirect_vreg.gather [hbm4b:s24+s3], $0x1, v4, vm0, $0xb8;
	[tilespmem:$0x1180] =	vst v63  }
0x54: {  	s28 =	simm.s32 $0xD00;
	s29 =	simm.s32 $0x1  }
0x55: {  	[tilespmem:s28], [sflag:$0x1] =	stream.indirect_vreg.gather [hbm4b:s24+s3], $0x1, v5, vm0, $0xb8;
	[tilespmem:$0x1180] =	vst v63  }
0x56: {  	_ =	swait.ge [sflag:s29], $0x10  }
0x57: {  	[sflag:s29] =	ssyncset.done $0x0  }
0x58: {  	[sflag:s29] =	ssyncadd.s32 $0xFFFFFFF0  }
0x59: {  	_ =	swait.ge [sflag:s29], $0x10  }
0x5a: {  	[sflag:s29] =	ssyncset.done $0x0  }
0x5b: {  	[sflag:s29] =	ssyncadd.s32 $0xFFFFFFF0  }
0x5c: {  	_ =	swait.ge [sflag:s29], $0x10  }
0x5d: {  	[sflag:s29] =	ssyncset.done $0x0  }
0x5e: {  	[sflag:s29] =	ssyncadd.s32 $0xFFFFFFF0  }
0x5f: {  	_ =	swait.ge [sflag:s29], $0x10  }
0x60: {  	[sflag:s29] =	ssyncset.done $0x0  }
0x61: {  	[sflag:s29] =	ssyncadd.s32 $0xFFFFFFF0  }
0x62: {  	_ =	swait.ge [sflag:s29], $0x10  }
0x63: {  	[sflag:s29] =	ssyncset.done $0x0  }
0x64: {  	[sflag:s29] =	ssyncadd.s32 $0xFFFFFFF0  }
0x65: {  	_ =	swait.ge [sflag:s29], $0x10  }
0x66: {  	[sflag:s29] =	ssyncset.done $0x0  }
0x67: {  	[sflag:s29] =	ssyncadd.s32 $0xFFFFFFF0  }
0x68: {  	_ =	swait.ge [sflag:s29], $0x10  }
0x69: {  	[sflag:s29] =	ssyncset.done $0x0  }
0x6a: {  	[sflag:s29] =	ssyncadd.s32 $0xFFFFFFF0  }
0x6b: {  	_ =	swait.ge [sflag:s29], $0x10  }
0x6c: {  	[sflag:s29] =	ssyncset.done $0x0  }
0x6d: {  	[sflag:s29] =	ssyncadd.s32 $0xFFFFFFF0  }
0x6e: {  	_ =	swait.ge [sflag:s29], $0x10  }
0x6f: {  	[sflag:s29] =	ssyncset.done $0x0  }
0x70: {  	[sflag:s29] =	ssyncadd.s32 $0xFFFFFFF0  }
0x71: {  	_ =	swait.ge [sflag:s29], $0x10  }
0x72: {  	[sflag:s29] =	ssyncset.done $0x0  }
0x73: {  	[sflag:s29] =	ssyncadd.s32 $0xFFFFFFF0  }
0x74: {  	_ =	swait.ge [sflag:s29], $0x10  }
0x75: {  	[sflag:s29] =	ssyncset.done $0x0  }
0x76: {  	[sflag:s29] =	ssyncadd.s32 $0xFFFFFFF0  }
0x77: {  	_ =	swait.ge [sflag:s29], $0x10  }
0x78: {  	[sflag:s29] =	ssyncset.done $0x0  }
0x79: {  	[sflag:s29] =	ssyncadd.s32 $0xFFFFFFF0  }
0x7a: {  	_ =	swait.ge [sflag:s29], $0x10  }
0x7b: {  	[sflag:s29] =	ssyncset.done $0x0  }
0x7c: {  	[sflag:s29] =	ssyncadd.s32 $0xFFFFFFF0  }
0x7d: {  	_ =	swait.ge [sflag:s29], $0x10  }
0x7e: {  	[sflag:s29] =	ssyncset.done $0x0  }
0x7f: {  	[sflag:s29] =	ssyncadd.s32 $0xFFFFFFF0  }
0x80: {  	_ =	swait.ge [sflag:s29], $0x10  }
0x81: {  	[sflag:s29] =	ssyncset.done $0x0  }
0x82: {  	[sflag:s29] =	ssyncadd.s32 $0xFFFFFFF0  }
0x83: {  	_ =	swait.ge [sflag:s29], $0x10  }
0x84: {  	[sflag:s29] =	ssyncset.done $0x0  }
0x85: {  	[sflag:s29] =	ssyncadd.s32 $0xFFFFFFF0  }
0x86: {  	_ =	swait.ge [sflag:s29], $0x10  }
0x87: {  	[sflag:s29] =	ssyncset.done $0x0  }
0x88: {  	[sflag:s29] =	ssyncadd.s32 $0xFFFFFFF0  }
0x89: {  	_ =	swait.ge [sflag:s29], $0x10  }
0x8a: {  	[sflag:s29] =	ssyncset.done $0x0  }
0x8b: {  	[sflag:s29] =	ssyncadd.s32 $0xFFFFFFF0  }
0x8c: {  	_ =	swait.ge [sflag:s29], $0x10  }
0x8d: {  	[sflag:s29] =	ssyncset.done $0x0  }
0x8e: {  	[sflag:s29] =	ssyncadd.s32 $0xFFFFFFF0  }
0x8f: {  	_ =	swait.ge [sflag:s29], $0x10  }
0x90: {  	[sflag:s29] =	ssyncset.done $0x0  }
0x91: {  	[sflag:s29] =	ssyncadd.s32 $0xFFFFFFF0  }
0x92: {  	_ =	swait.ge [sflag:s29], $0x10  }
0x93: {  	[sflag:s29] =	ssyncset.done $0x0  }
0x94: {  	[sflag:s29] =	ssyncadd.s32 $0xFFFFFFF0  }
0x95: {  	s1 =	ssub.s32 $0x2, s1;
	_ =	swait.ge [sflag:s29], $0x10  }
0x96: {  	s30 =	sshrl.u32 s1, $0x1;
	[sflag:s29] =	ssyncset.done $0x0  }
0x97: {  	s1 =	ssub.s32 s1, s30;
	[sflag:s29] =	ssyncadd.s32 $0xFFFFFFF0  }
0x98: {  	s1 =	smax.u32 s1, $0x1;
	_ =	swait.ge [sflag:s29], $0x10  }
0x99: {  	p0 =	sne.s32 s1, $0x1;
	[sflag:s29] =	ssyncset.done $0x0  }
.Ltmp1:
0x9a: {  	[sflag:s29] =	ssyncadd.s32 $0xFFFFFFF0;
	(pc) =	sbr.rel @!p0 .LBB2_3-.Ltmp1, $4  }
0x9b: {  	_ =	swait.ge [sflag:s29], $0x10  }
0x9c: {  	[sflag:s29] =	ssyncset.done $0x0  }
0x9d: {  	[sflag:s29] =	ssyncadd.s32 $0xFFFFFFF0  }
0x9e: {  	s31 =	simm.s32 $0xD80;
	s30 =	simm.s32 $0xF80;
	s1 =	sadd.s32 $0xFFFFFFFF, s1;
	v0 =	vld [tilespmem:$0xD00]  }
.LBB2_2:
0x9f: {  	v1 =	vld [tilespmem:$0x400]  }
0xa0: {  	v2 =	vld [tilespmem:$0xC80]  }
0xa1: {  	v3 =	vld [tilespmem:$0x700]  }
0xa2: {  	v4 =	vld [tilespmem:$0xB00]  }
0xa3: {  	v5 =	vld [tilespmem:$0x100]  }
0xa4: {  	v6 =	vld [tilespmem:$0x500]  }
0xa5: {  	v7 =	vld [tilespmem:$0x380]  }
0xa6: {  	v8 =	vld [tilespmem:$0x680]  }
0xa7: {  	v9 =	vld [tilespmem:$0xB80]  }
0xa8: {  	v10 =	vld [tilespmem:$0xA00]  }
0xa9: {  	v11 =	vld [tilespmem:$0x980]  }
0xaa: {  	v12 =	vld [tilespmem:$0xC00]  }
0xab: {  	v13 =	vld [tilespmem:$0x480]  }
0xac: {  	v55 =	vld [tilespmem:$0x800]  }
0xad: {  	v14 =	vld [tilespmem:$0x780]  }
0xae: {  	v56 =	vld [tilespmem:$0x580]  }
0xaf: {  	v57 =	vld [tilespmem:$0x880]  }
0xb0: {  	v58 =	vld [tilespmem:$0x300];
	v7 =	vadd.f32 v8, v7  }
0xb1: {  	v1 =	vadd.f32 v3, v1;
	v3 =	vld [tilespmem:$0x200];
	v2 =	vadd.f32 v2, v11  }
0xb2: {  	v59 =	vld [tilespmem:$0x180];
	v0 =	vadd.f32 v0, v10;
	vm1 =	veq.s32 v5, $0x0  }
0xb3: {  	v60 =	vld [tilespmem:$0x900];
	v2 =	vsel vm1, v7, v2  }
0xb4: {  	v0 =	vsel vm1, v1, v0;
	[tilespmem:$0x1000] =	vst v2;
	v2 =	vld [tilespmem:$0x280]  }
0xb5: {  	[tilespmem:$0x1080] =	vst v0;
	v0 =	vld [tilespmem:$0xA80]  }
0xb6: {  	v4 =	vadd.f32 v4, v55;
	v1 =	vld [tilespmem:$0x600];
	v3 =	vadd.f32 v6, v3;
	_ =	sdelay $0x1  }
0xb7: {  	v3 =	vsel vm1, v3, v4  }
0xb8: {  	[tilespmem:$0xE00] =	vst v3;
	v2 =	vadd.f32 v56, v2;
	v3 =	vadd.f32 v9, v57  }
0xb9: {  	v61 =	vadd.f32 v13, v59;
	v0 =	vadd.f32 v0, v14  }
0xba: {  	v1 =	vadd.f32 v1, v58;
	v2 =	vsel vm1, v2, v3;
	v3 =	vadd.f32 v12, v60  }
0xbb: {  	v0 =	vsel vm1, v61, v0;
	[tilespmem:$0xE80] =	vst v2  }
0xbc: {  	[tilespmem:$0xD80] =	vst v0;
	v0 =	vsel vm1, v1, v3  }
0xbd: {  	s0 =	rddreg [dreg:$0x9];
	[tilespmem:$0xF80] =	vst v0  }
0xbe: {  	[hbm4b:s0+s3] =	stream.linear.scatter [tilespmem:s31], [sflag:$0x2], $0x180, $0x38;
	[tilespmem:$0x1180] =	vst v63  }
0xbf: {  	_ =	swait.ge [sflag:s2], $0x180  }
0xc0: {  	[sflag:s2] =	ssyncset.done $0x0  }
0xc1: {  	s7 =	rddreg [dreg:$0xa];
	[sflag:s2] =	ssyncadd.s32 $0xFFFFFE80  }
0xc2: {  	[hbm4b:s7+s3] =	stream.linear.scatter [tilespmem:s30], [sflag:$0x2], $0x180, $0x38;
	[tilespmem:$0x1180] =	vst v63  }
0xc3: {  	_ =	swait.ge [sflag:s2], $0x180  }
0xc4: {  	[sflag:s2] =	ssyncset.done $0x0  }
0xc5: {  	s7 =	rddreg [dreg:$0x6];
	[sflag:s2] =	ssyncadd.s32 $0xFFFFFE80  }
0xc6: {  	[tilespmem:s3], [sflag:$0x2] =	stream.linear.gather [hbm4b:s7+s3], $0x80, $0x38;
	[tilespmem:$0x1180] =	vst v63  }
0xc7: {  	_ =	swait.ge [sflag:s2], $0x80  }
0xc8: {  	s0 =	rddreg [dreg:$0x7];
	[sflag:s2] =	ssyncset.done $0x0  }
0xc9: {  	s7 =	rddreg [dreg:$0xb];
	[sflag:s2] =	ssyncadd.s32 $0xFFFFFF80  }
0xca: {  	[tilespmem:s7], [sflag:$0x2] =	stream.linear.gather [hbm4b:s0+s3], $0x80, $0x38;
	[tilespmem:$0x1180] =	vst v63  }
0xcb: {  	_ =	swait.ge [sflag:s2], $0x80  }
0xcc: {  	s0 =	rddreg [dreg:$0x8];
	[sflag:s2] =	ssyncset.done $0x0  }
0xcd: {  	s7 =	rddreg [dreg:$0xc];
	[sflag:s2] =	ssyncadd.s32 $0xFFFFFF80  }
0xce: {  	[tilespmem:s7], [sflag:$0x2] =	stream.linear.gather [hbm4b:s0+s3], $0x80, $0x38;
	[tilespmem:$0x1180] =	vst v63  }
0xcf: {  	_ =	swait.ge [sflag:s2], $0x80  }
0xd0: {  	[sflag:s2] =	ssyncset.done $0x0  }
0xd1: {  	[sflag:s2] =	ssyncadd.s32 $0xFFFFFF80  }
0xd2: {  	v0 =	vld [tilespmem:$0x0];
	_ =	sdelay $0x4  }
0xd3: {  	v0 =	vmul.u32 $0x3, v0;
	_ =	sdelay $0x2  }
0xd4: {  	v1 =	vadd.s32 $0x1, v0;
	_ =	sdelay $0x1  }
0xd5: {  	s0 =	rddreg [dreg:$0xd];
	v3 =	vadd.s32 $0x2, v0  }
0xd6: {  	v2 =	vld [tilespmem:$0x80];
	[tilespmem:s0], [sflag:$0x1] =	stream.indirect_vreg.gather [hbm4b:s5+s3], $0x1, v0, vm0, $0xb8  }
0xd7: {  	s7 =	rddreg [dreg:$0xe]  }
0xd8: {  	[tilespmem:s7], [sflag:$0x1] =	stream.indirect_vreg.gather [hbm4b:s5+s3], $0x1, v1, vm0, $0xb8;
	[tilespmem:$0x1180] =	vst v63  }
0xd9: {  	s0 =	rddreg [dreg:$0xf]  }
0xda: {  	[tilespmem:s0], [sflag:$0x1] =	stream.indirect_vreg.gather [hbm4b:s5+s3], $0x1, v3, vm0, $0xb8;
	[tilespmem:$0x1180] =	vst v63  }
0xdb: {  	s7 =	rddreg [dreg:$0x10]  }
0xdc: {  	v2 =	vmul.u32 $0x3, v2;
	[tilespmem:s7], [sflag:$0x1] =	stream.indirect_vreg.gather [hbm4b:s6+s3], $0x1, v0, vm0, $0xb8;
	[tilespmem:$0x1180] =	vst v63  }
0xdd: {  	s0 =	rddreg [dreg:$0x11]  }
0xde: {  	[tilespmem:s0], [sflag:$0x1] =	stream.indirect_vreg.gather [hbm4b:s6+s3], $0x1, v1, vm0, $0xb8;
	[tilespmem:$0x1180] =	vst v63  }
0xdf: {  	v62 =	vadd.s32 $0x1, v2;
	s7 =	rddreg [dreg:$0x12]  }
0xe0: {  	[tilespmem:s7], [sflag:$0x1] =	stream.indirect_vreg.gather [hbm4b:s6+s3], $0x1, v3, vm0, $0xb8;
	[tilespmem:$0x1180] =	vst v63  }
0xe1: {  	v63 =	vadd.s32 $0x2, v2;
	s0 =	rddreg [dreg:$0x13]  }
0xe2: {  	[tilespmem:s0], [sflag:$0x1] =	stream.indirect_vreg.gather [hbm4b:s4+s3], $0x1, v2, vm0, $0xb8;
	[tilespmem:$0x1180] =	vst v63  }
0xe3: {  	s7 =	rddreg [dreg:$0x14]  }
0xe4: {  	[tilespmem:s7], [sflag:$0x1] =	stream.indirect_vreg.gather [hbm4b:s4+s3], $0x1, v62, vm0, $0xb8;
	[tilespmem:$0x1180] =	vst v63  }
0xe5: {  	s7 =	simm.s32 $0x580  }
0xe6: {  	[tilespmem:s7], [sflag:$0x1] =	stream.indirect_vreg.gather [hbm4b:s4+s3], $0x1, v63, vm0, $0xb8;
	[tilespmem:$0x1180] =	vst v63  }
0xe7: {  	_ = 	snop  }
0xe8: {  	[tilespmem:s9], [sflag:$0x1] =	stream.indirect_vreg.gather [hbm4b:s8+s3], $0x1, v2, vm0, $0xb8;
	[tilespmem:$0x1180] =	vst v63  }
0xe9: {  	_ = 	snop  }
0xea: {  	[tilespmem:s10], [sflag:$0x1] =	stream.indirect_vreg.gather [hbm4b:s8+s3], $0x1, v62, vm0, $0xb8;
	[tilespmem:$0x1180] =	vst v63  }
0xeb: {  	_ = 	snop  }
0xec: {  	[tilespmem:s11], [sflag:$0x1] =	stream.indirect_vreg.gather [hbm4b:s8+s3], $0x1, v63, vm0, $0xb8;
	[tilespmem:$0x1180] =	vst v63  }
0xed: {  	_ = 	snop  }
0xee: {  	[tilespmem:s13], [sflag:$0x1] =	stream.indirect_vreg.gather [hbm4b:s12+s3], $0x1, v0, vm0, $0xb8;
	[tilespmem:$0x1180] =	vst v63  }
0xef: {  	_ = 	snop  }
0xf0: {  	[tilespmem:s14], [sflag:$0x1] =	stream.indirect_vreg.gather [hbm4b:s12+s3], $0x1, v1, vm0, $0xb8;
	[tilespmem:$0x1180] =	vst v63  }
0xf1: {  	_ = 	snop  }
0xf2: {  	[tilespmem:s15], [sflag:$0x1] =	stream.indirect_vreg.gather [hbm4b:s12+s3], $0x1, v3, vm0, $0xb8;
	[tilespmem:$0x1180] =	vst v63  }
0xf3: {  	_ = 	snop  }
0xf4: {  	[tilespmem:s17], [sflag:$0x1] =	stream.indirect_vreg.gather [hbm4b:s16+s3], $0x1, v0, vm0, $0xb8;
	[tilespmem:$0x1180] =	vst v63  }
0xf5: {  	_ = 	snop  }
0xf6: {  	[tilespmem:s18], [sflag:$0x1] =	stream.indirect_vreg.gather [hbm4b:s16+s3], $0x1, v1, vm0, $0xb8;
	[tilespmem:$0x1180] =	vst v63  }
0xf7: {  	_ = 	snop  }
0xf8: {  	[tilespmem:s19], [sflag:$0x1] =	stream.indirect_vreg.gather [hbm4b:s16+s3], $0x1, v3, vm0, $0xb8;
	[tilespmem:$0x1180] =	vst v63  }
0xf9: {  	_ = 	snop  }
0xfa: {  	[tilespmem:s21], [sflag:$0x1] =	stream.indirect_vreg.gather [hbm4b:s20+s3], $0x1, v2, vm0, $0xb8;
	[tilespmem:$0x1180] =	vst v63  }
0xfb: {  	_ = 	snop  }
0xfc: {  	[tilespmem:s22], [sflag:$0x1] =	stream.indirect_vreg.gather [hbm4b:s20+s3], $0x1, v62, vm0, $0xb8;
	[tilespmem:$0x1180] =	vst v63  }
0xfd: {  	_ = 	snop  }
0xfe: {  	[tilespmem:s23], [sflag:$0x1] =	stream.indirect_vreg.gather [hbm4b:s20+s3], $0x1, v63, vm0, $0xb8;
	[tilespmem:$0x1180] =	vst v63  }
0xff: {  	_ = 	snop  }
0x100: {  	[tilespmem:s25], [sflag:$0x1] =	stream.indirect_vreg.gather [hbm4b:s24+s3], $0x1, v2, vm0, $0xb8;
	[tilespmem:$0x1180] =	vst v63  }
0x101: {  	_ = 	snop  }
0x102: {  	[tilespmem:s26], [sflag:$0x1] =	stream.indirect_vreg.gather [hbm4b:s24+s3], $0x1, v62, vm0, $0xb8;
	[tilespmem:$0x1180] =	vst v63  }
0x103: {  	_ = 	snop  }
0x104: {  	[tilespmem:s28], [sflag:$0x1] =	stream.indirect_vreg.gather [hbm4b:s24+s3], $0x1, v63, vm0, $0xb8;
	[tilespmem:$0x1180] =	vst v63  }
0x105: {  	_ =	swait.ge [sflag:s29], $0x10  }
0x106: {  	[sflag:s29] =	ssyncset.done $0x0  }
0x107: {  	[sflag:s29] =	ssyncadd.s32 $0xFFFFFFF0  }
0x108: {  	_ =	swait.ge [sflag:s29], $0x10  }
0x109: {  	[sflag:s29] =	ssyncset.done $0x0  }
0x10a: {  	[sflag:s29] =	ssyncadd.s32 $0xFFFFFFF0  }
0x10b: {  	_ =	swait.ge [sflag:s29], $0x10  }
0x10c: {  	[sflag:s29] =	ssyncset.done $0x0  }
0x10d: {  	[sflag:s29] =	ssyncadd.s32 $0xFFFFFFF0  }
0x10e: {  	_ =	swait.ge [sflag:s29], $0x10  }
0x10f: {  	[sflag:s29] =	ssyncset.done $0x0  }
0x110: {  	[sflag:s29] =	ssyncadd.s32 $0xFFFFFFF0  }
0x111: {  	_ =	swait.ge [sflag:s29], $0x10  }
0x112: {  	[sflag:s29] =	ssyncset.done $0x0  }
0x113: {  	[sflag:s29] =	ssyncadd.s32 $0xFFFFFFF0  }
0x114: {  	_ =	swait.ge [sflag:s29], $0x10  }
0x115: {  	[sflag:s29] =	ssyncset.done $0x0  }
0x116: {  	[sflag:s29] =	ssyncadd.s32 $0xFFFFFFF0  }
0x117: {  	_ =	swait.ge [sflag:s29], $0x10  }
0x118: {  	[sflag:s29] =	ssyncset.done $0x0  }
0x119: {  	[sflag:s29] =	ssyncadd.s32 $0xFFFFFFF0  }
0x11a: {  	_ =	swait.ge [sflag:s29], $0x10  }
0x11b: {  	[sflag:s29] =	ssyncset.done $0x0  }
0x11c: {  	[sflag:s29] =	ssyncadd.s32 $0xFFFFFFF0  }
0x11d: {  	_ =	swait.ge [sflag:s29], $0x10  }
0x11e: {  	[sflag:s29] =	ssyncset.done $0x0  }
0x11f: {  	[sflag:s29] =	ssyncadd.s32 $0xFFFFFFF0  }
0x120: {  	_ =	swait.ge [sflag:s29], $0x10  }
0x121: {  	[sflag:s29] =	ssyncset.done $0x0  }
0x122: {  	[sflag:s29] =	ssyncadd.s32 $0xFFFFFFF0  }
0x123: {  	_ =	swait.ge [sflag:s29], $0x10  }
0x124: {  	[sflag:s29] =	ssyncset.done $0x0  }
0x125: {  	[sflag:s29] =	ssyncadd.s32 $0xFFFFFFF0  }
0x126: {  	_ =	swait.ge [sflag:s29], $0x10  }
0x127: {  	[sflag:s29] =	ssyncset.done $0x0  }
0x128: {  	[sflag:s29] =	ssyncadd.s32 $0xFFFFFFF0  }
0x129: {  	_ =	swait.ge [sflag:s29], $0x10  }
0x12a: {  	[sflag:s29] =	ssyncset.done $0x0  }
0x12b: {  	[sflag:s29] =	ssyncadd.s32 $0xFFFFFFF0  }
0x12c: {  	_ =	swait.ge [sflag:s29], $0x10  }
0x12d: {  	[sflag:s29] =	ssyncset.done $0x0  }
0x12e: {  	[sflag:s29] =	ssyncadd.s32 $0xFFFFFFF0  }
0x12f: {  	_ =	swait.ge [sflag:s29], $0x10  }
0x130: {  	[sflag:s29] =	ssyncset.done $0x0  }
0x131: {  	[sflag:s29] =	ssyncadd.s32 $0xFFFFFFF0  }
0x132: {  	_ =	swait.ge [sflag:s29], $0x10  }
0x133: {  	[sflag:s29] =	ssyncset.done $0x0  }
0x134: {  	[sflag:s29] =	ssyncadd.s32 $0xFFFFFFF0  }
0x135: {  	_ =	swait.ge [sflag:s29], $0x10  }
0x136: {  	[sflag:s29] =	ssyncset.done $0x0  }
0x137: {  	[sflag:s29] =	ssyncadd.s32 $0xFFFFFFF0  }
0x138: {  	_ =	swait.ge [sflag:s29], $0x10  }
0x139: {  	[sflag:s29] =	ssyncset.done $0x0  }
0x13a: {  	[sflag:s29] =	ssyncadd.s32 $0xFFFFFFF0  }
0x13b: {  	_ =	swait.ge [sflag:s29], $0x10  }
0x13c: {  	[sflag:s29] =	ssyncset.done $0x0  }
0x13d: {  	[sflag:s29] =	ssyncadd.s32 $0xFFFFFFF0  }
0x13e: {  	_ =	swait.ge [sflag:s29], $0x10  }
0x13f: {  	[sflag:s29] =	ssyncset.done $0x0  }
0x140: {  	[sflag:s29] =	ssyncadd.s32 $0xFFFFFFF0  }
0x141: {  	_ =	swait.ge [sflag:s29], $0x10  }
0x142: {  	[sflag:s29] =	ssyncset.done $0x0  }
0x143: {  	[sflag:s29] =	ssyncadd.s32 $0xFFFFFFF0  }
0x144: {  	_ =	swait.ge [sflag:s29], $0x10  }
0x145: {  	[sflag:s29] =	ssyncset.done $0x0  }
0x146: {  	[sflag:s29] =	ssyncadd.s32 $0xFFFFFFF0  }
0x147: {  	_ =	swait.ge [sflag:s29], $0x10  }
0x148: {  	p0 =	sne.s32 s1, $0x1;
	[sflag:s29] =	ssyncset.done $0x0  }
.Ltmp2:
0x149: {  	[sflag:s29] =	ssyncadd.s32 $0xFFFFFFF0;
	(pc) =	sbr.rel @p0 .LBB2_2-.Ltmp2, $4  }
0x14a: {  	_ =	swait.ge [sflag:s29], $0x10  }
0x14b: {  	[sflag:s29] =	ssyncset.done $0x0  }
0x14c: {  	[sflag:s29] =	ssyncadd.s32 $0xFFFFFFF0  }
0x14d: {  	s1 =	sadd.s32 $0xFFFFFFFF, s1;
	v0 =	vld [tilespmem:$0xD00]  }
.LBB2_3:
0x14e: {  	v1 =	vld [tilespmem:$0x400]  }
0x14f: {  	v2 =	vld [tilespmem:$0xC80]  }
0x150: {  	v3 =	vld [tilespmem:$0x700]  }
0x151: {  	v4 =	vld [tilespmem:$0xB00]  }
0x152: {  	v5 =	vld [tilespmem:$0x100]  }
0x153: {  	v6 =	vld [tilespmem:$0x500]  }
0x154: {  	v7 =	vld [tilespmem:$0x380]  }
0x155: {  	v8 =	vld [tilespmem:$0x680]  }
0x156: {  	v9 =	vld [tilespmem:$0xB80]  }
0x157: {  	v10 =	vld [tilespmem:$0xA00]  }
0x158: {  	v11 =	vld [tilespmem:$0x980]  }
0x159: {  	v12 =	vld [tilespmem:$0xC00]  }
0x15a: {  	v13 =	vld [tilespmem:$0x480]  }
0x15b: {  	v14 =	vld [tilespmem:$0x800]  }
0x15c: {  	v15 =	vld [tilespmem:$0x780]  }
0x15d: {  	v16 =	vld [tilespmem:$0x200]  }
0x15e: {  	v17 =	vld [tilespmem:$0x580]  }
0x15f: {  	v18 =	vld [tilespmem:$0x600]  }
0x160: {  	v19 =	vld [tilespmem:$0xA80]  }
0x161: {  	v20 =	vld [tilespmem:$0x280]  }
0x162: {  	v22 =	vld [tilespmem:$0x300]  }
0x163: {  	v23 =	vld [tilespmem:$0x180]  }
0x164: {  	v54 =	vld [tilespmem:$0x900]  }
0x165: {  	v21 =	vld [tilespmem:$0x880];
	v1 =	vadd.f32 v3, v1;
	v0 =	vadd.f32 v0, v10  }
0x166: {  	v7 =	vadd.f32 v8, v7;
	vm0 =	veq.s32 v5, $0x0;
	v2 =	vadd.f32 v2, v11  }
0x167: {  	v55 =	vadd.f32 v4, v14;
	v56 =	vadd.f32 v6, v16;
	v0 =	vsel vm0, v1, v0  }
0x168: {  	v59 =	vadd.f32 v19, v15;
	v60 =	vadd.f32 v13, v23;
	v2 =	vsel vm0, v7, v2;
	[tilespmem:$0x1080] =	vst v0  }
0x169: {  	v61 =	vadd.f32 v18, v22;
	v3 =	vadd.f32 v12, v54;
	v1 =	vsel vm0, v56, v55;
	[tilespmem:$0x1000] =	vst v2  }
0x16a: {  	v57 =	vadd.f32 v17, v20;
	v58 =	vadd.f32 v9, v21;
	v62 =	vsel vm0, v60, v59;
	[tilespmem:$0xE00] =	vst v1  }
0x16b: {  	v63 =	vsel vm0, v61, v3;
	[tilespmem:$0xD80] =	vst v62  }
0x16c: {  	v0 =	vsel vm0, v57, v58;
	[tilespmem:$0xF80] =	vst v63  }
0x16d: {  	s0 =	rddreg [dreg:$0x9];
	[tilespmem:$0xE80] =	vst v0  }
0x16e: {  	[hbm4b:s0+s3] =	stream.linear.scatter [tilespmem:s31], [sflag:$0x2], $0x180, $0x38;
	[tilespmem:$0x1180] =	vst v63  }
0x16f: {  	_ =	swait.ge [sflag:s2], $0x180  }
0x170: {  	[sflag:s2] =	ssyncset.done $0x0  }
0x171: {  	s31 =	rddreg [dreg:$0xa];
	[sflag:s2] =	ssyncadd.s32 $0xFFFFFE80  }
0x172: {  	[hbm4b:s31+s3] =	stream.linear.scatter [tilespmem:s30], [sflag:$0x2], $0x180, $0x38;
	[tilespmem:$0x1180] =	vst v63  }
0x173: {  	_ =	swait.ge [sflag:s2], $0x180  }
0x174: {  	[sflag:s2] =	ssyncset.done $0x0  }
0x175: {  	[sflag:s2] =	ssyncadd.s32 $0xFFFFFE80  }
0x176: {  	s0 =	stileid.u32;
	s5 =	rddreg [dreg:$0x5]  }
.LBB2_4:
0x177: {  	_ =	sfence.sel $0x180000  }
0x178: {  	[bflag:$0x0] =	sbarrier.arrive $0xFFFF  }
0x179: {  	p0 =	sne.s32 s0, $0x0;
	_ =	strace $0x90000047  }
0x17a: {  	s0 =	sadd.s32 @!p0 $0x100000, s5;
	[bflag:$0x2] =	sbarrier.arrive $0xFFFF  }
0x17b: {  	[sflag:s0] =	ssyncadd.tile.s32 @!p0 $0x1;
	_ =	shalt  }
.Lfunc_end2:
_tile_overlayer_lowered:
.L_overlay_start_2:
0x17c: {  	(tag) =	ssettag $0x2  }
0x17d: {  	s0 =	rddreg [dreg:$0x0];
	s2 =	stileid.u32  }
0x17e: {  	s1 =	rddreg [dreg:$0x1];
	p0 =	sne.s32 s2, $0x0  }
0x17f: {  	s3 =	rddreg [dreg:$0x2];
	[bflag:$0x3] =	sbarrier.arrive $0xFFFF;
	s2 =	simm.s32 @!p0 $0x1C02  }
0x180: {  	[timem:s3], [sflag:s2] =	dma.local @!p0 [hbm:s0], s1  }
0x181: {  	s0 =	simm.s32 @!p0 $0x2  }
0x182: {  	_ =	swait.ge @!p0 [sflag:s0], s1  }
0x183: {  	s1 =	ssub.s32 @!p0 $0x0, s1;
	[sflag:s0] =	ssyncset.done @!p0 $0x0  }
0x184: {  	[sflag:s0] =	ssyncadd.s32 @!p0 s1  }
0x185: {  	[bflag:$0x3] =	sbarrier.arrive $0xFFFF  }
0x186: {  	_ =	shalt  }

</sc_bundles>
